<compile_context>
chip_gen: v7x
topology: tpu7x:2x2x1
jax: 0.10.2.dev20260603
libtpu: 0.0.44.dev20260713+nightly
codegen_flags: <defaults>
</compile_context>

<pallas_src>
import functools

import jax
import jax.numpy as jnp
from jax import lax
from jax.experimental import pallas as pl
from jax.experimental.pallas import tpu as pltpu
from jax.experimental.pallas import tpu_sc as plsc

N = 10000
D = 128
E = 320000
NC = 2
NS = 16
NW = NC * NS
CH = 128
NCH = 80
EPW = NCH * CH
EPAD = EPW * NW
NPAD = 10240
RPW = NPAD // NS

_mesh = plsc.VectorSubcoreMesh(core_axis_name="c", subcore_axis_name="s")


@functools.partial(
    pl.kernel,
    out_type=jax.ShapeDtypeStruct((NW, NPAD), jnp.float32),
    mesh=_mesh,
    compiler_params=pltpu.CompilerParams(needs_layout_passes=False),
    scratch_types=[
        pltpu.VMEM((NCH, CH), jnp.int32),
        pltpu.VMEM((NPAD,), jnp.float32),
    ],
)
def _sc_degree(dst_hbm, z1_hbm, out_hbm, dst_v, deg_v):
    c = lax.axis_index("c")
    s = lax.axis_index("s")
    wid = c * NS + s
    pltpu.sync_copy(z1_hbm, deg_v)
    pltpu.sync_copy(dst_hbm.at[wid], dst_v)
    ones = jnp.ones((16,), jnp.float32)

    def body(j, carry):
        for k in range(CH // 16):
            idx = dst_v[j, pl.ds(k * 16, 16)]
            plsc.addupdate_scatter(deg_v, [idx], ones)
        return carry

    lax.fori_loop(0, NCH, body, 0)
    pltpu.sync_copy(deg_v, out_hbm.at[wid])


def _tc_prescale_body(x_ref, w1_ref, degp_ref, p_ref, dinv8_ref):
    deg = jnp.sum(degp_ref[...], axis=0) + 1.0
    dinv = lax.rsqrt(deg)
    h = jnp.dot(x_ref[...], w1_ref[...], preferred_element_type=jnp.float32)
    dcol = dinv[:, None]
    p_ref[...] = dcol * h
    dinv8_ref[...] = jnp.broadcast_to(dcol, dinv8_ref.shape)


def _tc_prescale(x_pad, W1, deg_parts):
    blk = 1280
    grid = NPAD // blk
    return pl.pallas_call(
        _tc_prescale_body,
        grid=(grid,),
        in_specs=[
            pl.BlockSpec((blk, D), lambda i: (i, 0)),
            pl.BlockSpec((D, D), lambda i: (0, 0)),
            pl.BlockSpec((NW, blk), lambda i: (0, i)),
        ],
        out_specs=[
            pl.BlockSpec((blk, D), lambda i: (i, 0)),
            pl.BlockSpec((blk, 8), lambda i: (i, 0)),
        ],
        out_shape=[
            jax.ShapeDtypeStruct((NPAD, D), jnp.float32),
            jax.ShapeDtypeStruct((NPAD, 8), jnp.float32),
        ],
    )(x_pad, W1, deg_parts)


@functools.partial(
    pl.kernel,
    out_type=jax.ShapeDtypeStruct((NC, NPAD, D), jnp.float32),
    mesh=_mesh,
    scratch_types=[
        pltpu.VMEM((NCH // 2, CH), jnp.int32),
        pltpu.VMEM((NCH // 2, CH), jnp.int32),
        pltpu.VMEM((CH, D), jnp.float32),
        pltpu.VMEM((CH, D), jnp.float32),
        pltpu.VMEM_SHARED((NPAD, D), jnp.float32),
        pltpu.SemaphoreType.DMA,
        pltpu.SemaphoreType.DMA,
    ],
)
def _sc_edge_pass(p_hbm, src_hbm, dst_hbm, z2d_hbm, s_out,
                  src_v, dst_v, rb0, rb1, s_sh, g0, g1):
    HNCH = NCH // 2
    c = lax.axis_index("c")
    s = lax.axis_index("s")
    wid = c * NS + s
    pltpu.sync_copy(z2d_hbm, s_sh.at[pl.ds(s * RPW, RPW)])
    plsc.subcore_barrier()

    def body(j0, carry):
        j = j0 * 2
        pltpu.async_copy(p_hbm.at[src_v.at[j + 1]], rb1, g1)
        pltpu.make_async_copy(p_hbm.at[src_v.at[j]], rb0, g0).wait()
        pltpu.sync_copy(rb0, s_sh.at[dst_v.at[j]], add=True)
        jn = jnp.minimum(j + 2, HNCH - 1)
        pltpu.async_copy(p_hbm.at[src_v.at[jn]], rb0, g0)
        pltpu.make_async_copy(p_hbm.at[src_v.at[j + 1]], rb1, g1).wait()
        pltpu.sync_copy(rb1, s_sh.at[dst_v.at[j + 1]], add=True)
        return carry

    for h in range(2):
        pltpu.sync_copy(src_hbm.at[wid, pl.ds(h * HNCH, HNCH)], src_v)
        pltpu.sync_copy(dst_hbm.at[wid, pl.ds(h * HNCH, HNCH)], dst_v)
        pltpu.async_copy(p_hbm.at[src_v.at[0]], rb0, g0)
        lax.fori_loop(0, HNCH // 2, body, 0)
        pltpu.make_async_copy(p_hbm.at[src_v.at[HNCH - 1]], rb0, g0).wait()

    plsc.subcore_barrier()
    pltpu.sync_copy(s_sh.at[pl.ds(s * RPW, RPW)],
                    s_out.at[c, pl.ds(s * RPW, RPW)])


@functools.partial(
    pl.kernel,
    out_type=jax.ShapeDtypeStruct((NW, NPAD), jnp.float32),
    mesh=_mesh,
    compiler_params=pltpu.CompilerParams(needs_layout_passes=False),
    scratch_types=[
        pltpu.VMEM((NCH, CH), jnp.int32),
        pltpu.VMEM((NCH, CH), jnp.int32),
        pltpu.VMEM((NPAD,), jnp.float32),
        pltpu.VMEM((NPAD,), jnp.float32),
    ],
)
def _sc_t_pass(dinv_hbm, src_hbm, dst_hbm, z1_hbm, out_hbm,
               src_v, dst_v, dinv_v, t_v):
    c = lax.axis_index("c")
    s = lax.axis_index("s")
    wid = c * NS + s
    pltpu.sync_copy(z1_hbm, t_v)
    pltpu.sync_copy(dinv_hbm, dinv_v)
    pltpu.sync_copy(src_hbm.at[wid], src_v)
    pltpu.sync_copy(dst_hbm.at[wid], dst_v)

    def body(j, carry):
        for k in range(CH // 16):
            d16 = dst_v[j, pl.ds(k * 16, 16)]
            s16 = src_v[j, pl.ds(k * 16, 16)]
            vals = plsc.load_gather(dinv_v, [d16])
            plsc.addupdate_scatter(t_v, [s16], vals)
        return carry

    lax.fori_loop(0, NCH, body, 0)
    pltpu.sync_copy(t_v, out_hbm.at[wid])


def _tc_finish_body(sp_ref, p_ref, dinv8_ref, tp_ref, w2_ref, b1_ref,
                    b2_ref, wfc_ref, bfc_ref, out_ref, acc_ref):
    i = pl.program_id(0)
    blk = sp_ref.shape[1]

    @pl.when(i == 0)
    def _init():
        acc_ref[...] = jnp.zeros_like(acc_ref)

    dcol = dinv8_ref[:, 0:1]
    S = sp_ref[0] + sp_ref[1] + p_ref[...]
    h1 = jnp.maximum(dcol * S + b1_ref[...], 0.0)
    t = jnp.sum(tp_ref[...], axis=0)[:, None] + dcol
    row = i * blk + lax.broadcasted_iota(jnp.int32, (blk, 1), 0)
    cw = jnp.where(row < N, dcol * t, 0.0)
    acc_ref[...] += jnp.sum(cw * h1, axis=0, keepdims=True)

    @pl.when(i == pl.num_programs(0) - 1)
    def _fin():
        v = acc_ref[...]
        g = jnp.dot(v, w2_ref[...], preferred_element_type=jnp.float32)
        g = g / float(N) + b2_ref[...]
        out_ref[...] = jnp.dot(g, wfc_ref[...],
                               preferred_element_type=jnp.float32) + bfc_ref[...]


def _tc_finish(s_parts, p, dinv8, t_parts, W2, b1, b2, Wfc, bfc):
    blk = 1280
    grid = NPAD // blk
    return pl.pallas_call(
        _tc_finish_body,
        grid=(grid,),
        in_specs=[
            pl.BlockSpec((NC, blk, D), lambda i: (0, i, 0)),
            pl.BlockSpec((blk, D), lambda i: (i, 0)),
            pl.BlockSpec((blk, 8), lambda i: (i, 0)),
            pl.BlockSpec((NW, blk), lambda i: (0, i)),
            pl.BlockSpec((D, D), lambda i: (0, 0)),
            pl.BlockSpec((1, D), lambda i: (0, 0)),
            pl.BlockSpec((1, D), lambda i: (0, 0)),
            pl.BlockSpec((D, 1024), lambda i: (0, 0)),
            pl.BlockSpec((1, 1024), lambda i: (0, 0)),
        ],
        out_specs=pl.BlockSpec((1, 1024), lambda i: (0, 0)),
        out_shape=jax.ShapeDtypeStruct((1, 1024), jnp.float32),
        scratch_shapes=[pltpu.VMEM((1, D), jnp.float32)],
    )(s_parts, p, dinv8, t_parts, W2, b1.reshape(1, D), b2.reshape(1, D),
      Wfc, bfc.reshape(1, 1024))


def kernel(x, edge_index, W1, b1, W2, b2, Wfc, bfc):
    src = edge_index[0].astype(jnp.int32)
    dst = edge_index[1].astype(jnp.int32)
    fill = (jnp.arange(EPAD, dtype=jnp.int32) % (NPAD - N)) + N
    src_p = fill.at[:E].set(src).reshape(NW, NCH, CH)
    dst_p = fill.at[:E].set(dst).reshape(NW, NCH, CH)
    x_pad = jnp.zeros((NPAD, D), jnp.float32).at[:N].set(x)

    z1 = jnp.zeros((NPAD,), jnp.float32)
    z2d = jnp.zeros((RPW, D), jnp.float32)

    deg_parts = _sc_degree(dst_p, z1)
    p, dinv8 = _tc_prescale(x_pad, W1, deg_parts)
    s_parts = _sc_edge_pass(p, src_p, dst_p, z2d)
    t_parts = _sc_t_pass(dinv8[:, 0], src_p, dst_p, z1)
    out = _tc_finish(s_parts, p, dinv8, t_parts, W2, b1, b2, Wfc, bfc)
    return out.reshape(16, 64)

# --- scband reference (transcript-rebuilt; emitter-appended) ---
"""Pipeline reference for scband-sender-agent-12575664243382 (READ-ONLY COPY).

The authoritative reference and input builder live on the scoring server;
editing this copy changes nothing except your own understanding.
"""

import jax, jax.numpy as jnp
import numpy as np

N_NODES = 10000
D_IN = 128
D_HID = 128
D_OUT = 128
VOCAB = 64
MSG_LEN = 16
N_EDGES = 320000


def setup_inputs(seed: int = 0) -> dict:
    key = jax.random.key(seed)
    k = jax.random.split(key, 8)
    x = jax.random.normal(k[0], (N_NODES, D_IN), dtype=jnp.float32)
    edge_index = jax.random.randint(k[1], (2, N_EDGES), 0, N_NODES, dtype=jnp.int64)
    s1 = 1.0 / np.sqrt(D_IN)
    W1 = jax.random.uniform(k[2], (D_IN, D_HID), dtype=jnp.float32, minval=-s1, maxval=s1)
    b1 = jnp.zeros((D_HID,), dtype=jnp.float32)
    s2 = 1.0 / np.sqrt(D_HID)
    W2 = jax.random.uniform(k[3], (D_HID, D_OUT), dtype=jnp.float32, minval=-s2, maxval=s2)
    b2 = jnp.zeros((D_OUT,), dtype=jnp.float32)
    s3 = 1.0 / np.sqrt(D_OUT)
    Wfc = jax.random.uniform(k[4], (D_OUT, VOCAB * MSG_LEN), dtype=jnp.float32, minval=-s3, maxval=s3)
    bfc = jax.random.uniform(k[5], (VOCAB * MSG_LEN,), dtype=jnp.float32, minval=-s3, maxval=s3)
    return {"x": x, "edge_index": edge_index, "W1": W1, "b1": b1, "W2": W2, "b2": b2, "Wfc": Wfc, "bfc": bfc}


def gcn_conv(x, W, b, src, dst, num_nodes):
    # symmetric-normalized GCN aggregation with self-loops (PyG GCNConv defaults)
    deg = jnp.zeros((num_nodes,), dtype=x.dtype).at[dst].add(1.0)
    dinv = jnp.where(deg > 0, deg ** -0.5, 0.0)
    norm = dinv[src] * dinv[dst]
    h = x @ W
    msg = h[src] * norm[:, None]
    out = jnp.zeros((num_nodes, W.shape[1]), dtype=x.dtype).at[dst].add(msg)
    return out + b


def reference(x, edge_index, W1, b1, W2, b2, Wfc, bfc):
    num_nodes = x.shape[0]
    loops = jnp.arange(num_nodes, dtype=edge_index.dtype)
    src = jnp.concatenate([edge_index[0], loops])
    dst = jnp.concatenate([edge_index[1], loops])
    h = gcn_conv(x, W1, b1, src, dst, num_nodes)
    h = jax.nn.relu(h)
    node_embeddings = gcn_conv(h, W2, b2, src, dst, num_nodes)
    global_embedding = jnp.mean(node_embeddings, axis=0)
    message_logits = global_embedding @ Wfc + bfc
    return message_logits.reshape(MSG_LEN, VOCAB)

if __name__ == "__main__":
    import jax
    _d = setup_inputs()
    print(jax.jit(kernel)(*tuple(_d.values())))

</pallas_src>

<mosaic_0001>
#map = affine_map<(d0, d1) -> (0, 0)>
#map1 = affine_map<(d0, d1) -> (0, 0, 0)>
module attributes {stable_mosaic.version = 14 : i64} {
  func.func @_sc_edge_pass(%arg0: i32, %arg1: i32, %arg2: memref<10240x128xf32, #tpu.memory_space<hbm>>, %arg3: memref<32x80x128xi32, #tpu.memory_space<hbm>>, %arg4: memref<32x80x128xi32, #tpu.memory_space<hbm>>, %arg5: memref<640x128xf32, #tpu.memory_space<hbm>>, %arg6: memref<2x10240x128xf32, #tpu.memory_space<hbm>>, %arg7: memref<40x128xi32, #tpu.memory_space<vmem>>, %arg8: memref<40x128xi32, #tpu.memory_space<vmem>>, %arg9: memref<128x128xf32, #tpu.memory_space<vmem>>, %arg10: memref<128x128xf32, #tpu.memory_space<vmem>>, %arg11: memref<10240x128xf32, #tpu.memory_space<vmem_shared>>, %arg12: memref<!tpu.dma_semaphore, #tpu.memory_space<semaphore_mem>>, %arg13: memref<!tpu.dma_semaphore, #tpu.memory_space<semaphore_mem>>) attributes {dimension_semantics = [#tpu.dimension_semantics<core_parallel>, #tpu.dimension_semantics<subcore_parallel>], iteration_bounds = array<i64: 2, 16>, scalar_prefetch = 0 : i64, scratch_operands = 7 : i64, tpu.core_type = #tpu.core_type<sc_vector_subcore>, window_params = [{transform_indices = #map}, {transform_indices = #map1}, {transform_indices = #map1}, {transform_indices = #map}, {transform_indices = #map1}]} {
    %mul3A = arith.constant 16 : i32
    %mul3A_0 = arith.muli %arg0, %mul3A : i32
    %add3A = arith.addi %mul3A_0, %arg1 : i32
    %mul3A_1 = arith.constant 640 : i32
    %mul3A_2 = arith.muli %arg1, %mul3A_1 : i32
    "tpu.region"() ({
      %run_scoped3A = tpu.sem_alloc : memref<!tpu.dma_semaphore, #tpu.memory_space<semaphore_mem>>
      %dma_start3A_45 = arith.constant 0 : i32
      %dma_start3A_46 = tpu.memref_slice %arg11[%mul3A_2, %dma_start3A_45] : memref<10240x128xf32, #tpu.memory_space<vmem_shared>> -> memref<640x128xf32, #tpu.memory_space<vmem_shared>>
      tpu.enqueue_dma source(%arg5 : memref<640x128xf32, #tpu.memory_space<hbm>>) target(%dma_start3A_46 : memref<640x128xf32, #tpu.memory_space<vmem_shared>>) target_semaphore(%run_scoped3A : memref<!tpu.dma_semaphore, #tpu.memory_space<semaphore_mem>>)
      %dma_wait3A_47 = arith.constant 0 : i32
      %dma_wait3A_48 = tpu.memref_slice %arg11[%mul3A_2, %dma_wait3A_47] : memref<10240x128xf32, #tpu.memory_space<vmem_shared>> -> memref<640x128xf32, #tpu.memory_space<vmem_shared>>
      tpu.wait_dma2 semaphore(%run_scoped3A : memref<!tpu.dma_semaphore, #tpu.memory_space<semaphore_mem>>) src(%arg5 : memref<640x128xf32, #tpu.memory_space<hbm>>) dst(%dma_wait3A_48 : memref<640x128xf32, #tpu.memory_space<vmem_shared>>)
      tpu.yield
    }) : () -> ()
    %barrier3A = arith.constant 0 : index
    tpu.barrier barrier_id(%barrier3A)
    "tpu.region"() ({
      %run_scoped3A = tpu.sem_alloc : memref<!tpu.dma_semaphore, #tpu.memory_space<semaphore_mem>>
      %dma_start3A_45 = arith.constant 0 : i32
      %dma_start3A_46 = arith.constant 0 : i32
      %dma_start3A_47 = tpu.memref_slice %arg3[%add3A, %dma_start3A_45, %dma_start3A_46] : memref<32x80x128xi32, #tpu.memory_space<hbm>> -> memref<1x40x128xi32, #tpu.memory_space<hbm>>
      %dma_start3A_48 = tpu.memref_squeeze %dma_start3A_47 : memref<1x40x128xi32, #tpu.memory_space<hbm>> -> memref<40x128xi32, #tpu.memory_space<hbm>>
      %dma_start3A_49 = arith.constant 0 : i32
      %dma_start3A_50 = arith.constant 0 : i32
      %dma_start3A_51 = tpu.memref_slice %arg3[%add3A, %dma_start3A_49, %dma_start3A_50] : memref<32x80x128xi32, #tpu.memory_space<hbm>> -> memref<1x40x128xi32, #tpu.memory_space<hbm>>
      %dma_start3A_52 = tpu.memref_squeeze %dma_start3A_51 : memref<1x40x128xi32, #tpu.memory_space<hbm>> -> memref<40x128xi32, #tpu.memory_space<hbm>>
      tpu.enqueue_dma source(%dma_start3A_52 : memref<40x128xi32, #tpu.memory_space<hbm>>) target(%arg7 : memref<40x128xi32, #tpu.memory_space<vmem>>) target_semaphore(%run_scoped3A : memref<!tpu.dma_semaphore, #tpu.memory_space<semaphore_mem>>)
      %dma_wait3A_53 = arith.constant 0 : i32
      %dma_wait3A_54 = arith.constant 0 : i32
      %dma_wait3A_55 = tpu.memref_slice %arg3[%add3A, %dma_wait3A_53, %dma_wait3A_54] : memref<32x80x128xi32, #tpu.memory_space<hbm>> -> memref<1x40x128xi32, #tpu.memory_space<hbm>>
      %dma_wait3A_56 = tpu.memref_squeeze %dma_wait3A_55 : memref<1x40x128xi32, #tpu.memory_space<hbm>> -> memref<40x128xi32, #tpu.memory_space<hbm>>
      %dma_wait3A_57 = arith.constant 0 : i32
      %dma_wait3A_58 = arith.constant 0 : i32
      %dma_wait3A_59 = tpu.memref_slice %arg3[%add3A, %dma_wait3A_57, %dma_wait3A_58] : memref<32x80x128xi32, #tpu.memory_space<hbm>> -> memref<1x40x128xi32, #tpu.memory_space<hbm>>
      %dma_wait3A_60 = tpu.memref_squeeze %dma_wait3A_59 : memref<1x40x128xi32, #tpu.memory_space<hbm>> -> memref<40x128xi32, #tpu.memory_space<hbm>>
      tpu.wait_dma2 semaphore(%run_scoped3A : memref<!tpu.dma_semaphore, #tpu.memory_space<semaphore_mem>>) src(%dma_wait3A_60 : memref<40x128xi32, #tpu.memory_space<hbm>>) dst(%arg7 : memref<40x128xi32, #tpu.memory_space<vmem>>)
      tpu.yield
    }) : () -> ()
    "tpu.region"() ({
      %run_scoped3A = tpu.sem_alloc : memref<!tpu.dma_semaphore, #tpu.memory_space<semaphore_mem>>
      %dma_start3A_45 = arith.constant 0 : i32
      %dma_start3A_46 = arith.constant 0 : i32
      %dma_start3A_47 = tpu.memref_slice %arg4[%add3A, %dma_start3A_45, %dma_start3A_46] : memref<32x80x128xi32, #tpu.memory_space<hbm>> -> memref<1x40x128xi32, #tpu.memory_space<hbm>>
      %dma_start3A_48 = tpu.memref_squeeze %dma_start3A_47 : memref<1x40x128xi32, #tpu.memory_space<hbm>> -> memref<40x128xi32, #tpu.memory_space<hbm>>
      %dma_start3A_49 = arith.constant 0 : i32
      %dma_start3A_50 = arith.constant 0 : i32
      %dma_start3A_51 = tpu.memref_slice %arg4[%add3A, %dma_start3A_49, %dma_start3A_50] : memref<32x80x128xi32, #tpu.memory_space<hbm>> -> memref<1x40x128xi32, #tpu.memory_space<hbm>>
      %dma_start3A_52 = tpu.memref_squeeze %dma_start3A_51 : memref<1x40x128xi32, #tpu.memory_space<hbm>> -> memref<40x128xi32, #tpu.memory_space<hbm>>
      tpu.enqueue_dma source(%dma_start3A_52 : memref<40x128xi32, #tpu.memory_space<hbm>>) target(%arg8 : memref<40x128xi32, #tpu.memory_space<vmem>>) target_semaphore(%run_scoped3A : memref<!tpu.dma_semaphore, #tpu.memory_space<semaphore_mem>>)
      %dma_wait3A_53 = arith.constant 0 : i32
      %dma_wait3A_54 = arith.constant 0 : i32
      %dma_wait3A_55 = tpu.memref_slice %arg4[%add3A, %dma_wait3A_53, %dma_wait3A_54] : memref<32x80x128xi32, #tpu.memory_space<hbm>> -> memref<1x40x128xi32, #tpu.memory_space<hbm>>
      %dma_wait3A_56 = tpu.memref_squeeze %dma_wait3A_55 : memref<1x40x128xi32, #tpu.memory_space<hbm>> -> memref<40x128xi32, #tpu.memory_space<hbm>>
      %dma_wait3A_57 = arith.constant 0 : i32
      %dma_wait3A_58 = arith.constant 0 : i32
      %dma_wait3A_59 = tpu.memref_slice %arg4[%add3A, %dma_wait3A_57, %dma_wait3A_58] : memref<32x80x128xi32, #tpu.memory_space<hbm>> -> memref<1x40x128xi32, #tpu.memory_space<hbm>>
      %dma_wait3A_60 = tpu.memref_squeeze %dma_wait3A_59 : memref<1x40x128xi32, #tpu.memory_space<hbm>> -> memref<40x128xi32, #tpu.memory_space<hbm>>
      tpu.wait_dma2 semaphore(%run_scoped3A : memref<!tpu.dma_semaphore, #tpu.memory_space<semaphore_mem>>) src(%dma_wait3A_60 : memref<40x128xi32, #tpu.memory_space<hbm>>) dst(%arg8 : memref<40x128xi32, #tpu.memory_space<vmem>>)
      tpu.yield
    }) : () -> ()
    %dma_start3A = arith.constant 0 : i32
    %dma_start3A_3 = arith.constant 0 : i32
    %dma_start3A_4 = tpu.memref_slice %arg7[%dma_start3A, %dma_start3A_3] : memref<40x128xi32, #tpu.memory_space<vmem>> -> memref<1x128xi32, #tpu.memory_space<vmem>>
    %dma_start3A_5 = tpu.memref_squeeze %dma_start3A_4 : memref<1x128xi32, #tpu.memory_space<vmem>> -> memref<128xi32, #tpu.memory_space<vmem>>
    %dma_start3A_6 = arith.constant 0 : i32
    %dma_start3A_7 = arith.constant 0 : i32
    %dma_start3A_8 = tpu.memref_slice %arg2[%dma_start3A_6, %dma_start3A_7] : memref<10240x128xf32, #tpu.memory_space<hbm>> -> memref<10240x128xf32, #tpu.memory_space<hbm>>
    tpu.enqueue_indirect_dma source(%dma_start3A_8 : memref<10240x128xf32, #tpu.memory_space<hbm>>) target(%arg9 : memref<128x128xf32, #tpu.memory_space<vmem>>) offsets(%dma_start3A_5 : memref<128xi32, #tpu.memory_space<vmem>>) semaphore(%arg12 : memref<!tpu.dma_semaphore, #tpu.memory_space<semaphore_mem>>)
    %scan3A = arith.constant 0 : i32
    %scan3A_9 = arith.constant 0 : i32
    %scan3A_10 = arith.constant 20 : i32
    %scan3A_11 = arith.addi %scan3A_9, %scan3A_10 : i32
    %scan3A_12 = arith.constant 1 : i32
    scf.for %scan3A_45 = %scan3A_9 to %scan3A_11 step %scan3A_12  : i32 {
      %mul3A_46 = arith.constant 2 : i32
      %mul3A_47 = arith.muli %scan3A_45, %mul3A_46 : i32
      %add3A_48 = arith.constant 1 : i32
      %add3A_49 = arith.addi %mul3A_47, %add3A_48 : i32
      %dma_start3A_50 = arith.constant 0 : i32
      %dma_start3A_51 = tpu.memref_slice %arg7[%add3A_49, %dma_start3A_50] : memref<40x128xi32, #tpu.memory_space<vmem>> -> memref<1x128xi32, #tpu.memory_space<vmem>>
      %dma_start3A_52 = tpu.memref_squeeze %dma_start3A_51 : memref<1x128xi32, #tpu.memory_space<vmem>> -> memref<128xi32, #tpu.memory_space<vmem>>
      %dma_start3A_53 = arith.constant 0 : i32
      %dma_start3A_54 = arith.constant 0 : i32
      %dma_start3A_55 = tpu.memref_slice %arg2[%dma_start3A_53, %dma_start3A_54] : memref<10240x128xf32, #tpu.memory_space<hbm>> -> memref<10240x128xf32, #tpu.memory_space<hbm>>
      tpu.enqueue_indirect_dma source(%dma_start3A_55 : memref<10240x128xf32, #tpu.memory_space<hbm>>) target(%arg10 : memref<128x128xf32, #tpu.memory_space<vmem>>) offsets(%dma_start3A_52 : memref<128xi32, #tpu.memory_space<vmem>>) semaphore(%arg13 : memref<!tpu.dma_semaphore, #tpu.memory_space<semaphore_mem>>)
      %dma_wait3A_56 = arith.constant 0 : i32
      %dma_wait3A_57 = tpu.memref_slice %arg7[%mul3A_47, %dma_wait3A_56] : memref<40x128xi32, #tpu.memory_space<vmem>> -> memref<1x128xi32, #tpu.memory_space<vmem>>
      %dma_wait3A_58 = tpu.memref_squeeze %dma_wait3A_57 : memref<1x128xi32, #tpu.memory_space<vmem>> -> memref<128xi32, #tpu.memory_space<vmem>>
      %dma_wait3A_59 = arith.constant 0 : i32
      %dma_wait3A_60 = arith.constant 0 : i32
      %dma_wait3A_61 = tpu.memref_slice %arg2[%dma_wait3A_59, %dma_wait3A_60] : memref<10240x128xf32, #tpu.memory_space<hbm>> -> memref<10240x128xf32, #tpu.memory_space<hbm>>
      tpu.wait_indirect_dma semaphore(%arg12 : memref<!tpu.dma_semaphore, #tpu.memory_space<semaphore_mem>>) src(%dma_wait3A_61 : memref<10240x128xf32, #tpu.memory_space<hbm>>) dst(%arg9 : memref<128x128xf32, #tpu.memory_space<vmem>>)
      "tpu.region"() ({
        %run_scoped3A = tpu.sem_alloc : memref<!tpu.dma_semaphore, #tpu.memory_space<semaphore_mem>>
        %dma_start3A_81 = arith.constant 0 : i32
        %dma_start3A_82 = tpu.memref_slice %arg8[%mul3A_47, %dma_start3A_81] : memref<40x128xi32, #tpu.memory_space<vmem>> -> memref<1x128xi32, #tpu.memory_space<vmem>>
        %dma_start3A_83 = tpu.memref_squeeze %dma_start3A_82 : memref<1x128xi32, #tpu.memory_space<vmem>> -> memref<128xi32, #tpu.memory_space<vmem>>
        %dma_start3A_84 = arith.constant 0 : i32
        %dma_start3A_85 = arith.constant 0 : i32
        %dma_start3A_86 = tpu.memref_slice %arg11[%dma_start3A_84, %dma_start3A_85] : memref<10240x128xf32, #tpu.memory_space<vmem_shared>> -> memref<10240x128xf32, #tpu.memory_space<vmem_shared>>
        tpu.enqueue_indirect_dma source(%arg9 : memref<128x128xf32, #tpu.memory_space<vmem>>) target(%dma_start3A_86 : memref<10240x128xf32, #tpu.memory_space<vmem_shared>>) offsets(%dma_start3A_83 : memref<128xi32, #tpu.memory_space<vmem>>) semaphore(%run_scoped3A : memref<!tpu.dma_semaphore, #tpu.memory_space<semaphore_mem>>) {add = true}
        %dma_wait3A_87 = arith.constant 0 : i32
        %dma_wait3A_88 = tpu.memref_slice %arg8[%mul3A_47, %dma_wait3A_87] : memref<40x128xi32, #tpu.memory_space<vmem>> -> memref<1x128xi32, #tpu.memory_space<vmem>>
        %dma_wait3A_89 = tpu.memref_squeeze %dma_wait3A_88 : memref<1x128xi32, #tpu.memory_space<vmem>> -> memref<128xi32, #tpu.memory_space<vmem>>
        %dma_wait3A_90 = arith.constant 0 : i32
        %dma_wait3A_91 = arith.constant 0 : i32
        %dma_wait3A_92 = tpu.memref_slice %arg11[%dma_wait3A_90, %dma_wait3A_91] : memref<10240x128xf32, #tpu.memory_space<vmem_shared>> -> memref<10240x128xf32, #tpu.memory_space<vmem_shared>>
        tpu.wait_indirect_dma semaphore(%run_scoped3A : memref<!tpu.dma_semaphore, #tpu.memory_space<semaphore_mem>>) src(%arg9 : memref<128x128xf32, #tpu.memory_space<vmem>>) dst(%dma_wait3A_92 : memref<10240x128xf32, #tpu.memory_space<vmem_shared>>)
        tpu.yield
      }) : () -> ()
      %add3A_62 = arith.constant 2 : i32
      %add3A_63 = arith.addi %mul3A_47, %add3A_62 : i32
      %min3A = arith.constant 39 : i32
      %min3A_64 = arith.minsi %add3A_63, %min3A : i32
      %dma_start3A_65 = arith.constant 0 : i32
      %dma_start3A_66 = tpu.memref_slice %arg7[%min3A_64, %dma_start3A_65] : memref<40x128xi32, #tpu.memory_space<vmem>> -> memref<1x128xi32, #tpu.memory_space<vmem>>
      %dma_start3A_67 = tpu.memref_squeeze %dma_start3A_66 : memref<1x128xi32, #tpu.memory_space<vmem>> -> memref<128xi32, #tpu.memory_space<vmem>>
      %dma_start3A_68 = arith.constant 0 : i32
      %dma_start3A_69 = arith.constant 0 : i32
      %dma_start3A_70 = tpu.memref_slice %arg2[%dma_start3A_68, %dma_start3A_69] : memref<10240x128xf32, #tpu.memory_space<hbm>> -> memref<10240x128xf32, #tpu.memory_space<hbm>>
      tpu.enqueue_indirect_dma source(%dma_start3A_70 : memref<10240x128xf32, #tpu.memory_space<hbm>>) target(%arg9 : memref<128x128xf32, #tpu.memory_space<vmem>>) offsets(%dma_start3A_67 : memref<128xi32, #tpu.memory_space<vmem>>) semaphore(%arg12 : memref<!tpu.dma_semaphore, #tpu.memory_space<semaphore_mem>>)
      %add3A_71 = arith.constant 1 : i32
      %add3A_72 = arith.addi %mul3A_47, %add3A_71 : i32
      %dma_wait3A_73 = arith.constant 0 : i32
      %dma_wait3A_74 = tpu.memref_slice %arg7[%add3A_72, %dma_wait3A_73] : memref<40x128xi32, #tpu.memory_space<vmem>> -> memref<1x128xi32, #tpu.memory_space<vmem>>
      %dma_wait3A_75 = tpu.memref_squeeze %dma_wait3A_74 : memref<1x128xi32, #tpu.memory_space<vmem>> -> memref<128xi32, #tpu.memory_space<vmem>>
      %dma_wait3A_76 = arith.constant 0 : i32
      %dma_wait3A_77 = arith.constant 0 : i32
      %dma_wait3A_78 = tpu.memref_slice %arg2[%dma_wait3A_76, %dma_wait3A_77] : memref<10240x128xf32, #tpu.memory_space<hbm>> -> memref<10240x128xf32, #tpu.memory_space<hbm>>
      tpu.wait_indirect_dma semaphore(%arg13 : memref<!tpu.dma_semaphore, #tpu.memory_space<semaphore_mem>>) src(%dma_wait3A_78 : memref<10240x128xf32, #tpu.memory_space<hbm>>) dst(%arg10 : memref<128x128xf32, #tpu.memory_space<vmem>>)
      %add3A_79 = arith.constant 1 : i32
      %add3A_80 = arith.addi %mul3A_47, %add3A_79 : i32
      "tpu.region"() ({
        %run_scoped3A = tpu.sem_alloc : memref<!tpu.dma_semaphore, #tpu.memory_space<semaphore_mem>>
        %dma_start3A_81 = arith.constant 0 : i32
        %dma_start3A_82 = tpu.memref_slice %arg8[%add3A_80, %dma_start3A_81] : memref<40x128xi32, #tpu.memory_space<vmem>> -> memref<1x128xi32, #tpu.memory_space<vmem>>
        %dma_start3A_83 = tpu.memref_squeeze %dma_start3A_82 : memref<1x128xi32, #tpu.memory_space<vmem>> -> memref<128xi32, #tpu.memory_space<vmem>>
        %dma_start3A_84 = arith.constant 0 : i32
        %dma_start3A_85 = arith.constant 0 : i32
        %dma_start3A_86 = tpu.memref_slice %arg11[%dma_start3A_84, %dma_start3A_85] : memref<10240x128xf32, #tpu.memory_space<vmem_shared>> -> memref<10240x128xf32, #tpu.memory_space<vmem_shared>>
        tpu.enqueue_indirect_dma source(%arg10 : memref<128x128xf32, #tpu.memory_space<vmem>>) target(%dma_start3A_86 : memref<10240x128xf32, #tpu.memory_space<vmem_shared>>) offsets(%dma_start3A_83 : memref<128xi32, #tpu.memory_space<vmem>>) semaphore(%run_scoped3A : memref<!tpu.dma_semaphore, #tpu.memory_space<semaphore_mem>>) {add = true}
        %dma_wait3A_87 = arith.constant 0 : i32
        %dma_wait3A_88 = tpu.memref_slice %arg8[%add3A_80, %dma_wait3A_87] : memref<40x128xi32, #tpu.memory_space<vmem>> -> memref<1x128xi32, #tpu.memory_space<vmem>>
        %dma_wait3A_89 = tpu.memref_squeeze %dma_wait3A_88 : memref<1x128xi32, #tpu.memory_space<vmem>> -> memref<128xi32, #tpu.memory_space<vmem>>
        %dma_wait3A_90 = arith.constant 0 : i32
        %dma_wait3A_91 = arith.constant 0 : i32
        %dma_wait3A_92 = tpu.memref_slice %arg11[%dma_wait3A_90, %dma_wait3A_91] : memref<10240x128xf32, #tpu.memory_space<vmem_shared>> -> memref<10240x128xf32, #tpu.memory_space<vmem_shared>>
        tpu.wait_indirect_dma semaphore(%run_scoped3A : memref<!tpu.dma_semaphore, #tpu.memory_space<semaphore_mem>>) src(%arg10 : memref<128x128xf32, #tpu.memory_space<vmem>>) dst(%dma_wait3A_92 : memref<10240x128xf32, #tpu.memory_space<vmem_shared>>)
        tpu.yield
      }) : () -> ()
    }
    %scan3A_13 = arith.constant 20 : i32
    %dma_wait3A = arith.constant 39 : i32
    %dma_wait3A_14 = arith.constant 0 : i32
    %dma_wait3A_15 = tpu.memref_slice %arg7[%dma_wait3A, %dma_wait3A_14] : memref<40x128xi32, #tpu.memory_space<vmem>> -> memref<1x128xi32, #tpu.memory_space<vmem>>
    %dma_wait3A_16 = tpu.memref_squeeze %dma_wait3A_15 : memref<1x128xi32, #tpu.memory_space<vmem>> -> memref<128xi32, #tpu.memory_space<vmem>>
    %dma_wait3A_17 = arith.constant 0 : i32
    %dma_wait3A_18 = arith.constant 0 : i32
    %dma_wait3A_19 = tpu.memref_slice %arg2[%dma_wait3A_17, %dma_wait3A_18] : memref<10240x128xf32, #tpu.memory_space<hbm>> -> memref<10240x128xf32, #tpu.memory_space<hbm>>
    tpu.wait_indirect_dma semaphore(%arg12 : memref<!tpu.dma_semaphore, #tpu.memory_space<semaphore_mem>>) src(%dma_wait3A_19 : memref<10240x128xf32, #tpu.memory_space<hbm>>) dst(%arg9 : memref<128x128xf32, #tpu.memory_space<vmem>>)
    "tpu.region"() ({
      %run_scoped3A = tpu.sem_alloc : memref<!tpu.dma_semaphore, #tpu.memory_space<semaphore_mem>>
      %dma_start3A_45 = arith.constant 40 : i32
      %dma_start3A_46 = arith.constant 0 : i32
      %dma_start3A_47 = tpu.memref_slice %arg3[%add3A, %dma_start3A_45, %dma_start3A_46] : memref<32x80x128xi32, #tpu.memory_space<hbm>> -> memref<1x40x128xi32, #tpu.memory_space<hbm>>
      %dma_start3A_48 = tpu.memref_squeeze %dma_start3A_47 : memref<1x40x128xi32, #tpu.memory_space<hbm>> -> memref<40x128xi32, #tpu.memory_space<hbm>>
      %dma_start3A_49 = arith.constant 40 : i32
      %dma_start3A_50 = arith.constant 0 : i32
      %dma_start3A_51 = tpu.memref_slice %arg3[%add3A, %dma_start3A_49, %dma_start3A_50] : memref<32x80x128xi32, #tpu.memory_space<hbm>> -> memref<1x40x128xi32, #tpu.memory_space<hbm>>
      %dma_start3A_52 = tpu.memref_squeeze %dma_start3A_51 : memref<1x40x128xi32, #tpu.memory_space<hbm>> -> memref<40x128xi32, #tpu.memory_space<hbm>>
      tpu.enqueue_dma source(%dma_start3A_52 : memref<40x128xi32, #tpu.memory_space<hbm>>) target(%arg7 : memref<40x128xi32, #tpu.memory_space<vmem>>) target_semaphore(%run_scoped3A : memref<!tpu.dma_semaphore, #tpu.memory_space<semaphore_mem>>)
      %dma_wait3A_53 = arith.constant 40 : i32
      %dma_wait3A_54 = arith.constant 0 : i32
      %dma_wait3A_55 = tpu.memref_slice %arg3[%add3A, %dma_wait3A_53, %dma_wait3A_54] : memref<32x80x128xi32, #tpu.memory_space<hbm>> -> memref<1x40x128xi32, #tpu.memory_space<hbm>>
      %dma_wait3A_56 = tpu.memref_squeeze %dma_wait3A_55 : memref<1x40x128xi32, #tpu.memory_space<hbm>> -> memref<40x128xi32, #tpu.memory_space<hbm>>
      %dma_wait3A_57 = arith.constant 40 : i32
      %dma_wait3A_58 = arith.constant 0 : i32
      %dma_wait3A_59 = tpu.memref_slice %arg3[%add3A, %dma_wait3A_57, %dma_wait3A_58] : memref<32x80x128xi32, #tpu.memory_space<hbm>> -> memref<1x40x128xi32, #tpu.memory_space<hbm>>
      %dma_wait3A_60 = tpu.memref_squeeze %dma_wait3A_59 : memref<1x40x128xi32, #tpu.memory_space<hbm>> -> memref<40x128xi32, #tpu.memory_space<hbm>>
      tpu.wait_dma2 semaphore(%run_scoped3A : memref<!tpu.dma_semaphore, #tpu.memory_space<semaphore_mem>>) src(%dma_wait3A_60 : memref<40x128xi32, #tpu.memory_space<hbm>>) dst(%arg7 : memref<40x128xi32, #tpu.memory_space<vmem>>)
      tpu.yield
    }) : () -> ()
    "tpu.region"() ({
      %run_scoped3A = tpu.sem_alloc : memref<!tpu.dma_semaphore, #tpu.memory_space<semaphore_mem>>
      %dma_start3A_45 = arith.constant 40 : i32
      %dma_start3A_46 = arith.constant 0 : i32
      %dma_start3A_47 = tpu.memref_slice %arg4[%add3A, %dma_start3A_45, %dma_start3A_46] : memref<32x80x128xi32, #tpu.memory_space<hbm>> -> memref<1x40x128xi32, #tpu.memory_space<hbm>>
      %dma_start3A_48 = tpu.memref_squeeze %dma_start3A_47 : memref<1x40x128xi32, #tpu.memory_space<hbm>> -> memref<40x128xi32, #tpu.memory_space<hbm>>
      %dma_start3A_49 = arith.constant 40 : i32
      %dma_start3A_50 = arith.constant 0 : i32
      %dma_start3A_51 = tpu.memref_slice %arg4[%add3A, %dma_start3A_49, %dma_start3A_50] : memref<32x80x128xi32, #tpu.memory_space<hbm>> -> memref<1x40x128xi32, #tpu.memory_space<hbm>>
      %dma_start3A_52 = tpu.memref_squeeze %dma_start3A_51 : memref<1x40x128xi32, #tpu.memory_space<hbm>> -> memref<40x128xi32, #tpu.memory_space<hbm>>
      tpu.enqueue_dma source(%dma_start3A_52 : memref<40x128xi32, #tpu.memory_space<hbm>>) target(%arg8 : memref<40x128xi32, #tpu.memory_space<vmem>>) target_semaphore(%run_scoped3A : memref<!tpu.dma_semaphore, #tpu.memory_space<semaphore_mem>>)
      %dma_wait3A_53 = arith.constant 40 : i32
      %dma_wait3A_54 = arith.constant 0 : i32
      %dma_wait3A_55 = tpu.memref_slice %arg4[%add3A, %dma_wait3A_53, %dma_wait3A_54] : memref<32x80x128xi32, #tpu.memory_space<hbm>> -> memref<1x40x128xi32, #tpu.memory_space<hbm>>
      %dma_wait3A_56 = tpu.memref_squeeze %dma_wait3A_55 : memref<1x40x128xi32, #tpu.memory_space<hbm>> -> memref<40x128xi32, #tpu.memory_space<hbm>>
      %dma_wait3A_57 = arith.constant 40 : i32
      %dma_wait3A_58 = arith.constant 0 : i32
      %dma_wait3A_59 = tpu.memref_slice %arg4[%add3A, %dma_wait3A_57, %dma_wait3A_58] : memref<32x80x128xi32, #tpu.memory_space<hbm>> -> memref<1x40x128xi32, #tpu.memory_space<hbm>>
      %dma_wait3A_60 = tpu.memref_squeeze %dma_wait3A_59 : memref<1x40x128xi32, #tpu.memory_space<hbm>> -> memref<40x128xi32, #tpu.memory_space<hbm>>
      tpu.wait_dma2 semaphore(%run_scoped3A : memref<!tpu.dma_semaphore, #tpu.memory_space<semaphore_mem>>) src(%dma_wait3A_60 : memref<40x128xi32, #tpu.memory_space<hbm>>) dst(%arg8 : memref<40x128xi32, #tpu.memory_space<vmem>>)
      tpu.yield
    }) : () -> ()
    %dma_start3A_20 = arith.constant 0 : i32
    %dma_start3A_21 = arith.constant 0 : i32
    %dma_start3A_22 = tpu.memref_slice %arg7[%dma_start3A_20, %dma_start3A_21] : memref<40x128xi32, #tpu.memory_space<vmem>> -> memref<1x128xi32, #tpu.memory_space<vmem>>
    %dma_start3A_23 = tpu.memref_squeeze %dma_start3A_22 : memref<1x128xi32, #tpu.memory_space<vmem>> -> memref<128xi32, #tpu.memory_space<vmem>>
    %dma_start3A_24 = arith.constant 0 : i32
    %dma_start3A_25 = arith.constant 0 : i32
    %dma_start3A_26 = tpu.memref_slice %arg2[%dma_start3A_24, %dma_start3A_25] : memref<10240x128xf32, #tpu.memory_space<hbm>> -> memref<10240x128xf32, #tpu.memory_space<hbm>>
    tpu.enqueue_indirect_dma source(%dma_start3A_26 : memref<10240x128xf32, #tpu.memory_space<hbm>>) target(%arg9 : memref<128x128xf32, #tpu.memory_space<vmem>>) offsets(%dma_start3A_23 : memref<128xi32, #tpu.memory_space<vmem>>) semaphore(%arg12 : memref<!tpu.dma_semaphore, #tpu.memory_space<semaphore_mem>>)
    %scan3A_27 = arith.constant 0 : i32
    %scan3A_28 = arith.constant 0 : i32
    %scan3A_29 = arith.constant 20 : i32
    %scan3A_30 = arith.addi %scan3A_28, %scan3A_29 : i32
    %scan3A_31 = arith.constant 1 : i32
    scf.for %scan3A_45 = %scan3A_28 to %scan3A_30 step %scan3A_31  : i32 {
      %mul3A_46 = arith.constant 2 : i32
      %mul3A_47 = arith.muli %scan3A_45, %mul3A_46 : i32
      %add3A_48 = arith.constant 1 : i32
      %add3A_49 = arith.addi %mul3A_47, %add3A_48 : i32
      %dma_start3A_50 = arith.constant 0 : i32
      %dma_start3A_51 = tpu.memref_slice %arg7[%add3A_49, %dma_start3A_50] : memref<40x128xi32, #tpu.memory_space<vmem>> -> memref<1x128xi32, #tpu.memory_space<vmem>>
      %dma_start3A_52 = tpu.memref_squeeze %dma_start3A_51 : memref<1x128xi32, #tpu.memory_space<vmem>> -> memref<128xi32, #tpu.memory_space<vmem>>
      %dma_start3A_53 = arith.constant 0 : i32
      %dma_start3A_54 = arith.constant 0 : i32
      %dma_start3A_55 = tpu.memref_slice %arg2[%dma_start3A_53, %dma_start3A_54] : memref<10240x128xf32, #tpu.memory_space<hbm>> -> memref<10240x128xf32, #tpu.memory_space<hbm>>
      tpu.enqueue_indirect_dma source(%dma_start3A_55 : memref<10240x128xf32, #tpu.memory_space<hbm>>) target(%arg10 : memref<128x128xf32, #tpu.memory_space<vmem>>) offsets(%dma_start3A_52 : memref<128xi32, #tpu.memory_space<vmem>>) semaphore(%arg13 : memref<!tpu.dma_semaphore, #tpu.memory_space<semaphore_mem>>)
      %dma_wait3A_56 = arith.constant 0 : i32
      %dma_wait3A_57 = tpu.memref_slice %arg7[%mul3A_47, %dma_wait3A_56] : memref<40x128xi32, #tpu.memory_space<vmem>> -> memref<1x128xi32, #tpu.memory_space<vmem>>
      %dma_wait3A_58 = tpu.memref_squeeze %dma_wait3A_57 : memref<1x128xi32, #tpu.memory_space<vmem>> -> memref<128xi32, #tpu.memory_space<vmem>>
      %dma_wait3A_59 = arith.constant 0 : i32
      %dma_wait3A_60 = arith.constant 0 : i32
      %dma_wait3A_61 = tpu.memref_slice %arg2[%dma_wait3A_59, %dma_wait3A_60] : memref<10240x128xf32, #tpu.memory_space<hbm>> -> memref<10240x128xf32, #tpu.memory_space<hbm>>
      tpu.wait_indirect_dma semaphore(%arg12 : memref<!tpu.dma_semaphore, #tpu.memory_space<semaphore_mem>>) src(%dma_wait3A_61 : memref<10240x128xf32, #tpu.memory_space<hbm>>) dst(%arg9 : memref<128x128xf32, #tpu.memory_space<vmem>>)
      "tpu.region"() ({
        %run_scoped3A = tpu.sem_alloc : memref<!tpu.dma_semaphore, #tpu.memory_space<semaphore_mem>>
        %dma_start3A_81 = arith.constant 0 : i32
        %dma_start3A_82 = tpu.memref_slice %arg8[%mul3A_47, %dma_start3A_81] : memref<40x128xi32, #tpu.memory_space<vmem>> -> memref<1x128xi32, #tpu.memory_space<vmem>>
        %dma_start3A_83 = tpu.memref_squeeze %dma_start3A_82 : memref<1x128xi32, #tpu.memory_space<vmem>> -> memref<128xi32, #tpu.memory_space<vmem>>
        %dma_start3A_84 = arith.constant 0 : i32
        %dma_start3A_85 = arith.constant 0 : i32
        %dma_start3A_86 = tpu.memref_slice %arg11[%dma_start3A_84, %dma_start3A_85] : memref<10240x128xf32, #tpu.memory_space<vmem_shared>> -> memref<10240x128xf32, #tpu.memory_space<vmem_shared>>
        tpu.enqueue_indirect_dma source(%arg9 : memref<128x128xf32, #tpu.memory_space<vmem>>) target(%dma_start3A_86 : memref<10240x128xf32, #tpu.memory_space<vmem_shared>>) offsets(%dma_start3A_83 : memref<128xi32, #tpu.memory_space<vmem>>) semaphore(%run_scoped3A : memref<!tpu.dma_semaphore, #tpu.memory_space<semaphore_mem>>) {add = true}
        %dma_wait3A_87 = arith.constant 0 : i32
        %dma_wait3A_88 = tpu.memref_slice %arg8[%mul3A_47, %dma_wait3A_87] : memref<40x128xi32, #tpu.memory_space<vmem>> -> memref<1x128xi32, #tpu.memory_space<vmem>>
        %dma_wait3A_89 = tpu.memref_squeeze %dma_wait3A_88 : memref<1x128xi32, #tpu.memory_space<vmem>> -> memref<128xi32, #tpu.memory_space<vmem>>
        %dma_wait3A_90 = arith.constant 0 : i32
        %dma_wait3A_91 = arith.constant 0 : i32
        %dma_wait3A_92 = tpu.memref_slice %arg11[%dma_wait3A_90, %dma_wait3A_91] : memref<10240x128xf32, #tpu.memory_space<vmem_shared>> -> memref<10240x128xf32, #tpu.memory_space<vmem_shared>>
        tpu.wait_indirect_dma semaphore(%run_scoped3A : memref<!tpu.dma_semaphore, #tpu.memory_space<semaphore_mem>>) src(%arg9 : memref<128x128xf32, #tpu.memory_space<vmem>>) dst(%dma_wait3A_92 : memref<10240x128xf32, #tpu.memory_space<vmem_shared>>)
        tpu.yield
      }) : () -> ()
      %add3A_62 = arith.constant 2 : i32
      %add3A_63 = arith.addi %mul3A_47, %add3A_62 : i32
      %min3A = arith.constant 39 : i32
      %min3A_64 = arith.minsi %add3A_63, %min3A : i32
      %dma_start3A_65 = arith.constant 0 : i32
      %dma_start3A_66 = tpu.memref_slice %arg7[%min3A_64, %dma_start3A_65] : memref<40x128xi32, #tpu.memory_space<vmem>> -> memref<1x128xi32, #tpu.memory_space<vmem>>
      %dma_start3A_67 = tpu.memref_squeeze %dma_start3A_66 : memref<1x128xi32, #tpu.memory_space<vmem>> -> memref<128xi32, #tpu.memory_space<vmem>>
      %dma_start3A_68 = arith.constant 0 : i32
      %dma_start3A_69 = arith.constant 0 : i32
      %dma_start3A_70 = tpu.memref_slice %arg2[%dma_start3A_68, %dma_start3A_69] : memref<10240x128xf32, #tpu.memory_space<hbm>> -> memref<10240x128xf32, #tpu.memory_space<hbm>>
      tpu.enqueue_indirect_dma source(%dma_start3A_70 : memref<10240x128xf32, #tpu.memory_space<hbm>>) target(%arg9 : memref<128x128xf32, #tpu.memory_space<vmem>>) offsets(%dma_start3A_67 : memref<128xi32, #tpu.memory_space<vmem>>) semaphore(%arg12 : memref<!tpu.dma_semaphore, #tpu.memory_space<semaphore_mem>>)
      %add3A_71 = arith.constant 1 : i32
      %add3A_72 = arith.addi %mul3A_47, %add3A_71 : i32
      %dma_wait3A_73 = arith.constant 0 : i32
      %dma_wait3A_74 = tpu.memref_slice %arg7[%add3A_72, %dma_wait3A_73] : memref<40x128xi32, #tpu.memory_space<vmem>> -> memref<1x128xi32, #tpu.memory_space<vmem>>
      %dma_wait3A_75 = tpu.memref_squeeze %dma_wait3A_74 : memref<1x128xi32, #tpu.memory_space<vmem>> -> memref<128xi32, #tpu.memory_space<vmem>>
      %dma_wait3A_76 = arith.constant 0 : i32
      %dma_wait3A_77 = arith.constant 0 : i32
      %dma_wait3A_78 = tpu.memref_slice %arg2[%dma_wait3A_76, %dma_wait3A_77] : memref<10240x128xf32, #tpu.memory_space<hbm>> -> memref<10240x128xf32, #tpu.memory_space<hbm>>
      tpu.wait_indirect_dma semaphore(%arg13 : memref<!tpu.dma_semaphore, #tpu.memory_space<semaphore_mem>>) src(%dma_wait3A_78 : memref<10240x128xf32, #tpu.memory_space<hbm>>) dst(%arg10 : memref<128x128xf32, #tpu.memory_space<vmem>>)
      %add3A_79 = arith.constant 1 : i32
      %add3A_80 = arith.addi %mul3A_47, %add3A_79 : i32
      "tpu.region"() ({
        %run_scoped3A = tpu.sem_alloc : memref<!tpu.dma_semaphore, #tpu.memory_space<semaphore_mem>>
        %dma_start3A_81 = arith.constant 0 : i32
        %dma_start3A_82 = tpu.memref_slice %arg8[%add3A_80, %dma_start3A_81] : memref<40x128xi32, #tpu.memory_space<vmem>> -> memref<1x128xi32, #tpu.memory_space<vmem>>
        %dma_start3A_83 = tpu.memref_squeeze %dma_start3A_82 : memref<1x128xi32, #tpu.memory_space<vmem>> -> memref<128xi32, #tpu.memory_space<vmem>>
        %dma_start3A_84 = arith.constant 0 : i32
        %dma_start3A_85 = arith.constant 0 : i32
        %dma_start3A_86 = tpu.memref_slice %arg11[%dma_start3A_84, %dma_start3A_85] : memref<10240x128xf32, #tpu.memory_space<vmem_shared>> -> memref<10240x128xf32, #tpu.memory_space<vmem_shared>>
        tpu.enqueue_indirect_dma source(%arg10 : memref<128x128xf32, #tpu.memory_space<vmem>>) target(%dma_start3A_86 : memref<10240x128xf32, #tpu.memory_space<vmem_shared>>) offsets(%dma_start3A_83 : memref<128xi32, #tpu.memory_space<vmem>>) semaphore(%run_scoped3A : memref<!tpu.dma_semaphore, #tpu.memory_space<semaphore_mem>>) {add = true}
        %dma_wait3A_87 = arith.constant 0 : i32
        %dma_wait3A_88 = tpu.memref_slice %arg8[%add3A_80, %dma_wait3A_87] : memref<40x128xi32, #tpu.memory_space<vmem>> -> memref<1x128xi32, #tpu.memory_space<vmem>>
        %dma_wait3A_89 = tpu.memref_squeeze %dma_wait3A_88 : memref<1x128xi32, #tpu.memory_space<vmem>> -> memref<128xi32, #tpu.memory_space<vmem>>
        %dma_wait3A_90 = arith.constant 0 : i32
        %dma_wait3A_91 = arith.constant 0 : i32
        %dma_wait3A_92 = tpu.memref_slice %arg11[%dma_wait3A_90, %dma_wait3A_91] : memref<10240x128xf32, #tpu.memory_space<vmem_shared>> -> memref<10240x128xf32, #tpu.memory_space<vmem_shared>>
        tpu.wait_indirect_dma semaphore(%run_scoped3A : memref<!tpu.dma_semaphore, #tpu.memory_space<semaphore_mem>>) src(%arg10 : memref<128x128xf32, #tpu.memory_space<vmem>>) dst(%dma_wait3A_92 : memref<10240x128xf32, #tpu.memory_space<vmem_shared>>)
        tpu.yield
      }) : () -> ()
    }
    %scan3A_32 = arith.constant 20 : i32
    %dma_wait3A_33 = arith.constant 39 : i32
    %dma_wait3A_34 = arith.constant 0 : i32
    %dma_wait3A_35 = tpu.memref_slice %arg7[%dma_wait3A_33, %dma_wait3A_34] : memref<40x128xi32, #tpu.memory_space<vmem>> -> memref<1x128xi32, #tpu.memory_space<vmem>>
    %dma_wait3A_36 = tpu.memref_squeeze %dma_wait3A_35 : memref<1x128xi32, #tpu.memory_space<vmem>> -> memref<128xi32, #tpu.memory_space<vmem>>
    %dma_wait3A_37 = arith.constant 0 : i32
    %dma_wait3A_38 = arith.constant 0 : i32
    %dma_wait3A_39 = tpu.memref_slice %arg2[%dma_wait3A_37, %dma_wait3A_38] : memref<10240x128xf32, #tpu.memory_space<hbm>> -> memref<10240x128xf32, #tpu.memory_space<hbm>>
    tpu.wait_indirect_dma semaphore(%arg12 : memref<!tpu.dma_semaphore, #tpu.memory_space<semaphore_mem>>) src(%dma_wait3A_39 : memref<10240x128xf32, #tpu.memory_space<hbm>>) dst(%arg9 : memref<128x128xf32, #tpu.memory_space<vmem>>)
    %barrier3A_40 = arith.constant 0 : index
    tpu.barrier barrier_id(%barrier3A_40)
    %mul3A_41 = arith.constant 640 : i32
    %mul3A_42 = arith.muli %arg1, %mul3A_41 : i32
    %mul3A_43 = arith.constant 640 : i32
    %mul3A_44 = arith.muli %arg1, %mul3A_43 : i32
    "tpu.region"() ({
      %run_scoped3A = tpu.sem_alloc : memref<!tpu.dma_semaphore, #tpu.memory_space<semaphore_mem>>
      %dma_start3A_45 = arith.constant 0 : i32
      %dma_start3A_46 = tpu.memref_slice %arg6[%arg0, %mul3A_44, %dma_start3A_45] : memref<2x10240x128xf32, #tpu.memory_space<hbm>> -> memref<1x640x128xf32, #tpu.memory_space<hbm>>
      %dma_start3A_47 = tpu.memref_squeeze %dma_start3A_46 : memref<1x640x128xf32, #tpu.memory_space<hbm>> -> memref<640x128xf32, #tpu.memory_space<hbm>>
      %dma_start3A_48 = arith.constant 0 : i32
      %dma_start3A_49 = tpu.memref_slice %arg11[%mul3A_42, %dma_start3A_48] : memref<10240x128xf32, #tpu.memory_space<vmem_shared>> -> memref<640x128xf32, #tpu.memory_space<vmem_shared>>
      tpu.enqueue_dma source(%dma_start3A_49 : memref<640x128xf32, #tpu.memory_space<vmem_shared>>) target(%dma_start3A_47 : memref<640x128xf32, #tpu.memory_space<hbm>>) target_semaphore(%run_scoped3A : memref<!tpu.dma_semaphore, #tpu.memory_space<semaphore_mem>>)
      %dma_wait3A_50 = arith.constant 0 : i32
      %dma_wait3A_51 = tpu.memref_slice %arg6[%arg0, %mul3A_44, %dma_wait3A_50] : memref<2x10240x128xf32, #tpu.memory_space<hbm>> -> memref<1x640x128xf32, #tpu.memory_space<hbm>>
      %dma_wait3A_52 = tpu.memref_squeeze %dma_wait3A_51 : memref<1x640x128xf32, #tpu.memory_space<hbm>> -> memref<640x128xf32, #tpu.memory_space<hbm>>
      %dma_wait3A_53 = arith.constant 0 : i32
      %dma_wait3A_54 = tpu.memref_slice %arg11[%mul3A_42, %dma_wait3A_53] : memref<10240x128xf32, #tpu.memory_space<vmem_shared>> -> memref<640x128xf32, #tpu.memory_space<vmem_shared>>
      tpu.wait_dma2 semaphore(%run_scoped3A : memref<!tpu.dma_semaphore, #tpu.memory_space<semaphore_mem>>) src(%dma_wait3A_54 : memref<640x128xf32, #tpu.memory_space<vmem_shared>>) dst(%dma_wait3A_52 : memref<640x128xf32, #tpu.memory_space<hbm>>)
      tpu.yield
    }) : () -> ()
    return
  }
}

#map = affine_map<(d0, d1) -> (0, 0, 0)>
#map1 = affine_map<(d0, d1) -> (0)>
#map2 = affine_map<(d0, d1) -> (0, 0)>
module attributes {stable_mosaic.version = 14 : i64} {
  func.func @_sc_degree(%arg0: i32, %arg1: i32, %arg2: memref<32x80x128xi32, #tpu.memory_space<hbm>>, %arg3: memref<10240xf32, #tpu.memory_space<hbm>>, %arg4: memref<32x10240xf32, #tpu.memory_space<hbm>>, %arg5: memref<80x128xi32, #tpu.memory_space<vmem>>, %arg6: memref<10240xf32, #tpu.memory_space<vmem>>) attributes {dimension_semantics = [#tpu.dimension_semantics<core_parallel>, #tpu.dimension_semantics<subcore_parallel>], iteration_bounds = array<i64: 2, 16>, scalar_prefetch = 0 : i64, scratch_operands = 2 : i64, tpu.core_type = #tpu.core_type<sc_vector_subcore>, window_params = [{transform_indices = #map}, {transform_indices = #map1}, {transform_indices = #map2}]} {
    %mul3A = arith.constant 16 : i32
    %mul3A_0 = arith.muli %arg0, %mul3A : i32
    %add3A = arith.addi %mul3A_0, %arg1 : i32
    "tpu.region"() ({
      %run_scoped3A = tpu.sem_alloc : memref<!tpu.dma_semaphore, #tpu.memory_space<semaphore_mem>>
      tpu.enqueue_dma source(%arg3 : memref<10240xf32, #tpu.memory_space<hbm>>) target(%arg6 : memref<10240xf32, #tpu.memory_space<vmem>>) target_semaphore(%run_scoped3A : memref<!tpu.dma_semaphore, #tpu.memory_space<semaphore_mem>>)
      tpu.wait_dma2 semaphore(%run_scoped3A : memref<!tpu.dma_semaphore, #tpu.memory_space<semaphore_mem>>) src(%arg3 : memref<10240xf32, #tpu.memory_space<hbm>>) dst(%arg6 : memref<10240xf32, #tpu.memory_space<vmem>>)
      tpu.yield
    }) : () -> ()
    "tpu.region"() ({
      %run_scoped3A = tpu.sem_alloc : memref<!tpu.dma_semaphore, #tpu.memory_space<semaphore_mem>>
      %dma_start3A = arith.constant 0 : i32
      %dma_start3A_7 = arith.constant 0 : i32
      %dma_start3A_8 = tpu.memref_slice %arg2[%add3A, %dma_start3A, %dma_start3A_7] : memref<32x80x128xi32, #tpu.memory_space<hbm>> -> memref<1x80x128xi32, #tpu.memory_space<hbm>>
      %dma_start3A_9 = tpu.memref_squeeze %dma_start3A_8 : memref<1x80x128xi32, #tpu.memory_space<hbm>> -> memref<80x128xi32, #tpu.memory_space<hbm>>
      %dma_start3A_10 = arith.constant 0 : i32
      %dma_start3A_11 = arith.constant 0 : i32
      %dma_start3A_12 = tpu.memref_slice %arg2[%add3A, %dma_start3A_10, %dma_start3A_11] : memref<32x80x128xi32, #tpu.memory_space<hbm>> -> memref<1x80x128xi32, #tpu.memory_space<hbm>>
      %dma_start3A_13 = tpu.memref_squeeze %dma_start3A_12 : memref<1x80x128xi32, #tpu.memory_space<hbm>> -> memref<80x128xi32, #tpu.memory_space<hbm>>
      tpu.enqueue_dma source(%dma_start3A_13 : memref<80x128xi32, #tpu.memory_space<hbm>>) target(%arg5 : memref<80x128xi32, #tpu.memory_space<vmem>>) target_semaphore(%run_scoped3A : memref<!tpu.dma_semaphore, #tpu.memory_space<semaphore_mem>>)
      %dma_wait3A = arith.constant 0 : i32
      %dma_wait3A_14 = arith.constant 0 : i32
      %dma_wait3A_15 = tpu.memref_slice %arg2[%add3A, %dma_wait3A, %dma_wait3A_14] : memref<32x80x128xi32, #tpu.memory_space<hbm>> -> memref<1x80x128xi32, #tpu.memory_space<hbm>>
      %dma_wait3A_16 = tpu.memref_squeeze %dma_wait3A_15 : memref<1x80x128xi32, #tpu.memory_space<hbm>> -> memref<80x128xi32, #tpu.memory_space<hbm>>
      %dma_wait3A_17 = arith.constant 0 : i32
      %dma_wait3A_18 = arith.constant 0 : i32
      %dma_wait3A_19 = tpu.memref_slice %arg2[%add3A, %dma_wait3A_17, %dma_wait3A_18] : memref<32x80x128xi32, #tpu.memory_space<hbm>> -> memref<1x80x128xi32, #tpu.memory_space<hbm>>
      %dma_wait3A_20 = tpu.memref_squeeze %dma_wait3A_19 : memref<1x80x128xi32, #tpu.memory_space<hbm>> -> memref<80x128xi32, #tpu.memory_space<hbm>>
      tpu.wait_dma2 semaphore(%run_scoped3A : memref<!tpu.dma_semaphore, #tpu.memory_space<semaphore_mem>>) src(%dma_wait3A_20 : memref<80x128xi32, #tpu.memory_space<hbm>>) dst(%arg5 : memref<80x128xi32, #tpu.memory_space<vmem>>)
      tpu.yield
    }) : () -> ()
    %broadcast_in_dim3A = arith.constant 1.000000e+00 : f32
    %broadcast_in_dim3A_1 = vector.broadcast %broadcast_in_dim3A : f32 to vector<16xf32>
    %scan3A = arith.constant 0 : i32
    %scan3A_2 = arith.constant 0 : i32
    %scan3A_3 = arith.constant 80 : i32
    %scan3A_4 = arith.addi %scan3A_2, %scan3A_3 : i32
    %scan3A_5 = arith.constant 1 : i32
    scf.for %scan3A_7 = %scan3A_2 to %scan3A_4 step %scan3A_5  : i32 {
      %get3A = arith.index_cast %scan3A_7 : i32 to index
      %get3A_8 = arith.constant 0 : index
      %get3A_9 = tpu.vector_load %arg5[%get3A, %get3A_8] {strides = array<i32>} : memref<80x128xi32, #tpu.memory_space<vmem>>, vector<16xi32>,
      tpu.vector_store_idx %arg6[%get3A_9], %broadcast_in_dim3A_1 {add = true} : memref<10240xf32, #tpu.memory_space<vmem>>[vector<16xi32>], vector<16xf32>,
      %get3A_10 = arith.index_cast %scan3A_7 : i32 to index
      %get3A_11 = arith.constant 16 : index
      %get3A_12 = tpu.vector_load %arg5[%get3A_10, %get3A_11] {strides = array<i32>} : memref<80x128xi32, #tpu.memory_space<vmem>>, vector<16xi32>,
      tpu.vector_store_idx %arg6[%get3A_12], %broadcast_in_dim3A_1 {add = true} : memref<10240xf32, #tpu.memory_space<vmem>>[vector<16xi32>], vector<16xf32>,
      %get3A_13 = arith.index_cast %scan3A_7 : i32 to index
      %get3A_14 = arith.constant 32 : index
      %get3A_15 = tpu.vector_load %arg5[%get3A_13, %get3A_14] {strides = array<i32>} : memref<80x128xi32, #tpu.memory_space<vmem>>, vector<16xi32>,
      tpu.vector_store_idx %arg6[%get3A_15], %broadcast_in_dim3A_1 {add = true} : memref<10240xf32, #tpu.memory_space<vmem>>[vector<16xi32>], vector<16xf32>,
      %get3A_16 = arith.index_cast %scan3A_7 : i32 to index
      %get3A_17 = arith.constant 48 : index
      %get3A_18 = tpu.vector_load %arg5[%get3A_16, %get3A_17] {strides = array<i32>} : memref<80x128xi32, #tpu.memory_space<vmem>>, vector<16xi32>,
      tpu.vector_store_idx %arg6[%get3A_18], %broadcast_in_dim3A_1 {add = true} : memref<10240xf32, #tpu.memory_space<vmem>>[vector<16xi32>], vector<16xf32>,
      %get3A_19 = arith.index_cast %scan3A_7 : i32 to index
      %get3A_20 = arith.constant 64 : index
      %get3A_21 = tpu.vector_load %arg5[%get3A_19, %get3A_20] {strides = array<i32>} : memref<80x128xi32, #tpu.memory_space<vmem>>, vector<16xi32>,
      tpu.vector_store_idx %arg6[%get3A_21], %broadcast_in_dim3A_1 {add = true} : memref<10240xf32, #tpu.memory_space<vmem>>[vector<16xi32>], vector<16xf32>,
      %get3A_22 = arith.index_cast %scan3A_7 : i32 to index
      %get3A_23 = arith.constant 80 : index
      %get3A_24 = tpu.vector_load %arg5[%get3A_22, %get3A_23] {strides = array<i32>} : memref<80x128xi32, #tpu.memory_space<vmem>>, vector<16xi32>,
      tpu.vector_store_idx %arg6[%get3A_24], %broadcast_in_dim3A_1 {add = true} : memref<10240xf32, #tpu.memory_space<vmem>>[vector<16xi32>], vector<16xf32>,
      %get3A_25 = arith.index_cast %scan3A_7 : i32 to index
      %get3A_26 = arith.constant 96 : index
      %get3A_27 = tpu.vector_load %arg5[%get3A_25, %get3A_26] {strides = array<i32>} : memref<80x128xi32, #tpu.memory_space<vmem>>, vector<16xi32>,
      tpu.vector_store_idx %arg6[%get3A_27], %broadcast_in_dim3A_1 {add = true} : memref<10240xf32, #tpu.memory_space<vmem>>[vector<16xi32>], vector<16xf32>,
      %get3A_28 = arith.index_cast %scan3A_7 : i32 to index
      %get3A_29 = arith.constant 112 : index
      %get3A_30 = tpu.vector_load %arg5[%get3A_28, %get3A_29] {strides = array<i32>} : memref<80x128xi32, #tpu.memory_space<vmem>>, vector<16xi32>,
      tpu.vector_store_idx %arg6[%get3A_30], %broadcast_in_dim3A_1 {add = true} : memref<10240xf32, #tpu.memory_space<vmem>>[vector<16xi32>], vector<16xf32>,
    }
    %scan3A_6 = arith.constant 80 : i32
    "tpu.region"() ({
      %run_scoped3A = tpu.sem_alloc : memref<!tpu.dma_semaphore, #tpu.memory_space<semaphore_mem>>
      %dma_start3A = arith.constant 0 : i32
      %dma_start3A_7 = tpu.memref_slice %arg4[%add3A, %dma_start3A] : memref<32x10240xf32, #tpu.memory_space<hbm>> -> memref<1x10240xf32, #tpu.memory_space<hbm>>
      %dma_start3A_8 = tpu.memref_squeeze %dma_start3A_7 : memref<1x10240xf32, #tpu.memory_space<hbm>> -> memref<10240xf32, #tpu.memory_space<hbm>>
      %dma_start3A_9 = arith.constant 0 : i32
      %dma_start3A_10 = tpu.memref_slice %arg4[%add3A, %dma_start3A_9] : memref<32x10240xf32, #tpu.memory_space<hbm>> -> memref<1x10240xf32, #tpu.memory_space<hbm>>
      %dma_start3A_11 = tpu.memref_squeeze %dma_start3A_10 : memref<1x10240xf32, #tpu.memory_space<hbm>> -> memref<10240xf32, #tpu.memory_space<hbm>>
      tpu.enqueue_dma source(%arg6 : memref<10240xf32, #tpu.memory_space<vmem>>) target(%dma_start3A_11 : memref<10240xf32, #tpu.memory_space<hbm>>) target_semaphore(%run_scoped3A : memref<!tpu.dma_semaphore, #tpu.memory_space<semaphore_mem>>)
      %dma_wait3A = arith.constant 0 : i32
      %dma_wait3A_12 = tpu.memref_slice %arg4[%add3A, %dma_wait3A] : memref<32x10240xf32, #tpu.memory_space<hbm>> -> memref<1x10240xf32, #tpu.memory_space<hbm>>
      %dma_wait3A_13 = tpu.memref_squeeze %dma_wait3A_12 : memref<1x10240xf32, #tpu.memory_space<hbm>> -> memref<10240xf32, #tpu.memory_space<hbm>>
      %dma_wait3A_14 = arith.constant 0 : i32
      %dma_wait3A_15 = tpu.memref_slice %arg4[%add3A, %dma_wait3A_14] : memref<32x10240xf32, #tpu.memory_space<hbm>> -> memref<1x10240xf32, #tpu.memory_space<hbm>>
      %dma_wait3A_16 = tpu.memref_squeeze %dma_wait3A_15 : memref<1x10240xf32, #tpu.memory_space<hbm>> -> memref<10240xf32, #tpu.memory_space<hbm>>
      tpu.wait_dma2 semaphore(%run_scoped3A : memref<!tpu.dma_semaphore, #tpu.memory_space<semaphore_mem>>) src(%arg6 : memref<10240xf32, #tpu.memory_space<vmem>>) dst(%dma_wait3A_16 : memref<10240xf32, #tpu.memory_space<hbm>>)
      tpu.yield
    }) : () -> ()
    return
  }
}

#map = affine_map<(d0, d1) -> (0)>
#map1 = affine_map<(d0, d1) -> (0, 0, 0)>
#map2 = affine_map<(d0, d1) -> (0, 0)>
module attributes {stable_mosaic.version = 14 : i64} {
  func.func @_sc_t_pass(%arg0: i32, %arg1: i32, %arg2: memref<10240xf32, #tpu.memory_space<hbm>>, %arg3: memref<32x80x128xi32, #tpu.memory_space<hbm>>, %arg4: memref<32x80x128xi32, #tpu.memory_space<hbm>>, %arg5: memref<10240xf32, #tpu.memory_space<hbm>>, %arg6: memref<32x10240xf32, #tpu.memory_space<hbm>>, %arg7: memref<80x128xi32, #tpu.memory_space<vmem>>, %arg8: memref<80x128xi32, #tpu.memory_space<vmem>>, %arg9: memref<10240xf32, #tpu.memory_space<vmem>>, %arg10: memref<10240xf32, #tpu.memory_space<vmem>>) attributes {dimension_semantics = [#tpu.dimension_semantics<core_parallel>, #tpu.dimension_semantics<subcore_parallel>], iteration_bounds = array<i64: 2, 16>, scalar_prefetch = 0 : i64, scratch_operands = 4 : i64, tpu.core_type = #tpu.core_type<sc_vector_subcore>, window_params = [{transform_indices = #map}, {transform_indices = #map1}, {transform_indices = #map1}, {transform_indices = #map}, {transform_indices = #map2}]} {
    %mul3A = arith.constant 16 : i32
    %mul3A_0 = arith.muli %arg0, %mul3A : i32
    %add3A = arith.addi %mul3A_0, %arg1 : i32
    "tpu.region"() ({
      %run_scoped3A = tpu.sem_alloc : memref<!tpu.dma_semaphore, #tpu.memory_space<semaphore_mem>>
      tpu.enqueue_dma source(%arg5 : memref<10240xf32, #tpu.memory_space<hbm>>) target(%arg10 : memref<10240xf32, #tpu.memory_space<vmem>>) target_semaphore(%run_scoped3A : memref<!tpu.dma_semaphore, #tpu.memory_space<semaphore_mem>>)
      tpu.wait_dma2 semaphore(%run_scoped3A : memref<!tpu.dma_semaphore, #tpu.memory_space<semaphore_mem>>) src(%arg5 : memref<10240xf32, #tpu.memory_space<hbm>>) dst(%arg10 : memref<10240xf32, #tpu.memory_space<vmem>>)
      tpu.yield
    }) : () -> ()
    "tpu.region"() ({
      %run_scoped3A = tpu.sem_alloc : memref<!tpu.dma_semaphore, #tpu.memory_space<semaphore_mem>>
      tpu.enqueue_dma source(%arg2 : memref<10240xf32, #tpu.memory_space<hbm>>) target(%arg9 : memref<10240xf32, #tpu.memory_space<vmem>>) target_semaphore(%run_scoped3A : memref<!tpu.dma_semaphore, #tpu.memory_space<semaphore_mem>>)
      tpu.wait_dma2 semaphore(%run_scoped3A : memref<!tpu.dma_semaphore, #tpu.memory_space<semaphore_mem>>) src(%arg2 : memref<10240xf32, #tpu.memory_space<hbm>>) dst(%arg9 : memref<10240xf32, #tpu.memory_space<vmem>>)
      tpu.yield
    }) : () -> ()
    "tpu.region"() ({
      %run_scoped3A = tpu.sem_alloc : memref<!tpu.dma_semaphore, #tpu.memory_space<semaphore_mem>>
      %dma_start3A = arith.constant 0 : i32
      %dma_start3A_6 = arith.constant 0 : i32
      %dma_start3A_7 = tpu.memref_slice %arg3[%add3A, %dma_start3A, %dma_start3A_6] : memref<32x80x128xi32, #tpu.memory_space<hbm>> -> memref<1x80x128xi32, #tpu.memory_space<hbm>>
      %dma_start3A_8 = tpu.memref_squeeze %dma_start3A_7 : memref<1x80x128xi32, #tpu.memory_space<hbm>> -> memref<80x128xi32, #tpu.memory_space<hbm>>
      %dma_start3A_9 = arith.constant 0 : i32
      %dma_start3A_10 = arith.constant 0 : i32
      %dma_start3A_11 = tpu.memref_slice %arg3[%add3A, %dma_start3A_9, %dma_start3A_10] : memref<32x80x128xi32, #tpu.memory_space<hbm>> -> memref<1x80x128xi32, #tpu.memory_space<hbm>>
      %dma_start3A_12 = tpu.memref_squeeze %dma_start3A_11 : memref<1x80x128xi32, #tpu.memory_space<hbm>> -> memref<80x128xi32, #tpu.memory_space<hbm>>
      tpu.enqueue_dma source(%dma_start3A_12 : memref<80x128xi32, #tpu.memory_space<hbm>>) target(%arg7 : memref<80x128xi32, #tpu.memory_space<vmem>>) target_semaphore(%run_scoped3A : memref<!tpu.dma_semaphore, #tpu.memory_space<semaphore_mem>>)
      %dma_wait3A = arith.constant 0 : i32
      %dma_wait3A_13 = arith.constant 0 : i32
      %dma_wait3A_14 = tpu.memref_slice %arg3[%add3A, %dma_wait3A, %dma_wait3A_13] : memref<32x80x128xi32, #tpu.memory_space<hbm>> -> memref<1x80x128xi32, #tpu.memory_space<hbm>>
      %dma_wait3A_15 = tpu.memref_squeeze %dma_wait3A_14 : memref<1x80x128xi32, #tpu.memory_space<hbm>> -> memref<80x128xi32, #tpu.memory_space<hbm>>
      %dma_wait3A_16 = arith.constant 0 : i32
      %dma_wait3A_17 = arith.constant 0 : i32
      %dma_wait3A_18 = tpu.memref_slice %arg3[%add3A, %dma_wait3A_16, %dma_wait3A_17] : memref<32x80x128xi32, #tpu.memory_space<hbm>> -> memref<1x80x128xi32, #tpu.memory_space<hbm>>
      %dma_wait3A_19 = tpu.memref_squeeze %dma_wait3A_18 : memref<1x80x128xi32, #tpu.memory_space<hbm>> -> memref<80x128xi32, #tpu.memory_space<hbm>>
      tpu.wait_dma2 semaphore(%run_scoped3A : memref<!tpu.dma_semaphore, #tpu.memory_space<semaphore_mem>>) src(%dma_wait3A_19 : memref<80x128xi32, #tpu.memory_space<hbm>>) dst(%arg7 : memref<80x128xi32, #tpu.memory_space<vmem>>)
      tpu.yield
    }) : () -> ()
    "tpu.region"() ({
      %run_scoped3A = tpu.sem_alloc : memref<!tpu.dma_semaphore, #tpu.memory_space<semaphore_mem>>
      %dma_start3A = arith.constant 0 : i32
      %dma_start3A_6 = arith.constant 0 : i32
      %dma_start3A_7 = tpu.memref_slice %arg4[%add3A, %dma_start3A, %dma_start3A_6] : memref<32x80x128xi32, #tpu.memory_space<hbm>> -> memref<1x80x128xi32, #tpu.memory_space<hbm>>
      %dma_start3A_8 = tpu.memref_squeeze %dma_start3A_7 : memref<1x80x128xi32, #tpu.memory_space<hbm>> -> memref<80x128xi32, #tpu.memory_space<hbm>>
      %dma_start3A_9 = arith.constant 0 : i32
      %dma_start3A_10 = arith.constant 0 : i32
      %dma_start3A_11 = tpu.memref_slice %arg4[%add3A, %dma_start3A_9, %dma_start3A_10] : memref<32x80x128xi32, #tpu.memory_space<hbm>> -> memref<1x80x128xi32, #tpu.memory_space<hbm>>
      %dma_start3A_12 = tpu.memref_squeeze %dma_start3A_11 : memref<1x80x128xi32, #tpu.memory_space<hbm>> -> memref<80x128xi32, #tpu.memory_space<hbm>>
      tpu.enqueue_dma source(%dma_start3A_12 : memref<80x128xi32, #tpu.memory_space<hbm>>) target(%arg8 : memref<80x128xi32, #tpu.memory_space<vmem>>) target_semaphore(%run_scoped3A : memref<!tpu.dma_semaphore, #tpu.memory_space<semaphore_mem>>)
      %dma_wait3A = arith.constant 0 : i32
      %dma_wait3A_13 = arith.constant 0 : i32
      %dma_wait3A_14 = tpu.memref_slice %arg4[%add3A, %dma_wait3A, %dma_wait3A_13] : memref<32x80x128xi32, #tpu.memory_space<hbm>> -> memref<1x80x128xi32, #tpu.memory_space<hbm>>
      %dma_wait3A_15 = tpu.memref_squeeze %dma_wait3A_14 : memref<1x80x128xi32, #tpu.memory_space<hbm>> -> memref<80x128xi32, #tpu.memory_space<hbm>>
      %dma_wait3A_16 = arith.constant 0 : i32
      %dma_wait3A_17 = arith.constant 0 : i32
      %dma_wait3A_18 = tpu.memref_slice %arg4[%add3A, %dma_wait3A_16, %dma_wait3A_17] : memref<32x80x128xi32, #tpu.memory_space<hbm>> -> memref<1x80x128xi32, #tpu.memory_space<hbm>>
      %dma_wait3A_19 = tpu.memref_squeeze %dma_wait3A_18 : memref<1x80x128xi32, #tpu.memory_space<hbm>> -> memref<80x128xi32, #tpu.memory_space<hbm>>
      tpu.wait_dma2 semaphore(%run_scoped3A : memref<!tpu.dma_semaphore, #tpu.memory_space<semaphore_mem>>) src(%dma_wait3A_19 : memref<80x128xi32, #tpu.memory_space<hbm>>) dst(%arg8 : memref<80x128xi32, #tpu.memory_space<vmem>>)
      tpu.yield
    }) : () -> ()
    %scan3A = arith.constant 0 : i32
    %scan3A_1 = arith.constant 0 : i32
    %scan3A_2 = arith.constant 80 : i32
    %scan3A_3 = arith.addi %scan3A_1, %scan3A_2 : i32
    %scan3A_4 = arith.constant 1 : i32
    scf.for %scan3A_6 = %scan3A_1 to %scan3A_3 step %scan3A_4  : i32 {
      %get3A = arith.index_cast %scan3A_6 : i32 to index
      %get3A_7 = arith.constant 0 : index
      %get3A_8 = tpu.vector_load %arg8[%get3A, %get3A_7] {strides = array<i32>} : memref<80x128xi32, #tpu.memory_space<vmem>>, vector<16xi32>,
      %get3A_9 = arith.index_cast %scan3A_6 : i32 to index
      %get3A_10 = arith.constant 0 : index
      %get3A_11 = tpu.vector_load %arg7[%get3A_9, %get3A_10] {strides = array<i32>} : memref<80x128xi32, #tpu.memory_space<vmem>>, vector<16xi32>,
      %gather3A = tpu.vector_load_idx %arg9[%get3A_8] : memref<10240xf32, #tpu.memory_space<vmem>>[vector<16xi32>], vector<16xf32>,
      tpu.vector_store_idx %arg10[%get3A_11], %gather3A {add = true} : memref<10240xf32, #tpu.memory_space<vmem>>[vector<16xi32>], vector<16xf32>,
      %get3A_12 = arith.index_cast %scan3A_6 : i32 to index
      %get3A_13 = arith.constant 16 : index
      %get3A_14 = tpu.vector_load %arg8[%get3A_12, %get3A_13] {strides = array<i32>} : memref<80x128xi32, #tpu.memory_space<vmem>>, vector<16xi32>,
      %get3A_15 = arith.index_cast %scan3A_6 : i32 to index
      %get3A_16 = arith.constant 16 : index
      %get3A_17 = tpu.vector_load %arg7[%get3A_15, %get3A_16] {strides = array<i32>} : memref<80x128xi32, #tpu.memory_space<vmem>>, vector<16xi32>,
      %gather3A_18 = tpu.vector_load_idx %arg9[%get3A_14] : memref<10240xf32, #tpu.memory_space<vmem>>[vector<16xi32>], vector<16xf32>,
      tpu.vector_store_idx %arg10[%get3A_17], %gather3A_18 {add = true} : memref<10240xf32, #tpu.memory_space<vmem>>[vector<16xi32>], vector<16xf32>,
      %get3A_19 = arith.index_cast %scan3A_6 : i32 to index
      %get3A_20 = arith.constant 32 : index
      %get3A_21 = tpu.vector_load %arg8[%get3A_19, %get3A_20] {strides = array<i32>} : memref<80x128xi32, #tpu.memory_space<vmem>>, vector<16xi32>,
      %get3A_22 = arith.index_cast %scan3A_6 : i32 to index
      %get3A_23 = arith.constant 32 : index
      %get3A_24 = tpu.vector_load %arg7[%get3A_22, %get3A_23] {strides = array<i32>} : memref<80x128xi32, #tpu.memory_space<vmem>>, vector<16xi32>,
      %gather3A_25 = tpu.vector_load_idx %arg9[%get3A_21] : memref<10240xf32, #tpu.memory_space<vmem>>[vector<16xi32>], vector<16xf32>,
      tpu.vector_store_idx %arg10[%get3A_24], %gather3A_25 {add = true} : memref<10240xf32, #tpu.memory_space<vmem>>[vector<16xi32>], vector<16xf32>,
      %get3A_26 = arith.index_cast %scan3A_6 : i32 to index
      %get3A_27 = arith.constant 48 : index
      %get3A_28 = tpu.vector_load %arg8[%get3A_26, %get3A_27] {strides = array<i32>} : memref<80x128xi32, #tpu.memory_space<vmem>>, vector<16xi32>,
      %get3A_29 = arith.index_cast %scan3A_6 : i32 to index
      %get3A_30 = arith.constant 48 : index
      %get3A_31 = tpu.vector_load %arg7[%get3A_29, %get3A_30] {strides = array<i32>} : memref<80x128xi32, #tpu.memory_space<vmem>>, vector<16xi32>,
      %gather3A_32 = tpu.vector_load_idx %arg9[%get3A_28] : memref<10240xf32, #tpu.memory_space<vmem>>[vector<16xi32>], vector<16xf32>,
      tpu.vector_store_idx %arg10[%get3A_31], %gather3A_32 {add = true} : memref<10240xf32, #tpu.memory_space<vmem>>[vector<16xi32>], vector<16xf32>,
      %get3A_33 = arith.index_cast %scan3A_6 : i32 to index
      %get3A_34 = arith.constant 64 : index
      %get3A_35 = tpu.vector_load %arg8[%get3A_33, %get3A_34] {strides = array<i32>} : memref<80x128xi32, #tpu.memory_space<vmem>>, vector<16xi32>,
      %get3A_36 = arith.index_cast %scan3A_6 : i32 to index
      %get3A_37 = arith.constant 64 : index
      %get3A_38 = tpu.vector_load %arg7[%get3A_36, %get3A_37] {strides = array<i32>} : memref<80x128xi32, #tpu.memory_space<vmem>>, vector<16xi32>,
      %gather3A_39 = tpu.vector_load_idx %arg9[%get3A_35] : memref<10240xf32, #tpu.memory_space<vmem>>[vector<16xi32>], vector<16xf32>,
      tpu.vector_store_idx %arg10[%get3A_38], %gather3A_39 {add = true} : memref<10240xf32, #tpu.memory_space<vmem>>[vector<16xi32>], vector<16xf32>,
      %get3A_40 = arith.index_cast %scan3A_6 : i32 to index
      %get3A_41 = arith.constant 80 : index
      %get3A_42 = tpu.vector_load %arg8[%get3A_40, %get3A_41] {strides = array<i32>} : memref<80x128xi32, #tpu.memory_space<vmem>>, vector<16xi32>,
      %get3A_43 = arith.index_cast %scan3A_6 : i32 to index
      %get3A_44 = arith.constant 80 : index
      %get3A_45 = tpu.vector_load %arg7[%get3A_43, %get3A_44] {strides = array<i32>} : memref<80x128xi32, #tpu.memory_space<vmem>>, vector<16xi32>,
      %gather3A_46 = tpu.vector_load_idx %arg9[%get3A_42] : memref<10240xf32, #tpu.memory_space<vmem>>[vector<16xi32>], vector<16xf32>,
      tpu.vector_store_idx %arg10[%get3A_45], %gather3A_46 {add = true} : memref<10240xf32, #tpu.memory_space<vmem>>[vector<16xi32>], vector<16xf32>,
      %get3A_47 = arith.index_cast %scan3A_6 : i32 to index
      %get3A_48 = arith.constant 96 : index
      %get3A_49 = tpu.vector_load %arg8[%get3A_47, %get3A_48] {strides = array<i32>} : memref<80x128xi32, #tpu.memory_space<vmem>>, vector<16xi32>,
      %get3A_50 = arith.index_cast %scan3A_6 : i32 to index
      %get3A_51 = arith.constant 96 : index
      %get3A_52 = tpu.vector_load %arg7[%get3A_50, %get3A_51] {strides = array<i32>} : memref<80x128xi32, #tpu.memory_space<vmem>>, vector<16xi32>,
      %gather3A_53 = tpu.vector_load_idx %arg9[%get3A_49] : memref<10240xf32, #tpu.memory_space<vmem>>[vector<16xi32>], vector<16xf32>,
      tpu.vector_store_idx %arg10[%get3A_52], %gather3A_53 {add = true} : memref<10240xf32, #tpu.memory_space<vmem>>[vector<16xi32>], vector<16xf32>,
      %get3A_54 = arith.index_cast %scan3A_6 : i32 to index
      %get3A_55 = arith.constant 112 : index
      %get3A_56 = tpu.vector_load %arg8[%get3A_54, %get3A_55] {strides = array<i32>} : memref<80x128xi32, #tpu.memory_space<vmem>>, vector<16xi32>,
      %get3A_57 = arith.index_cast %scan3A_6 : i32 to index
      %get3A_58 = arith.constant 112 : index
      %get3A_59 = tpu.vector_load %arg7[%get3A_57, %get3A_58] {strides = array<i32>} : memref<80x128xi32, #tpu.memory_space<vmem>>, vector<16xi32>,
      %gather3A_60 = tpu.vector_load_idx %arg9[%get3A_56] : memref<10240xf32, #tpu.memory_space<vmem>>[vector<16xi32>], vector<16xf32>,
      tpu.vector_store_idx %arg10[%get3A_59], %gather3A_60 {add = true} : memref<10240xf32, #tpu.memory_space<vmem>>[vector<16xi32>], vector<16xf32>,
    }
    %scan3A_5 = arith.constant 80 : i32
    "tpu.region"() ({
      %run_scoped3A = tpu.sem_alloc : memref<!tpu.dma_semaphore, #tpu.memory_space<semaphore_mem>>
      %dma_start3A = arith.constant 0 : i32
      %dma_start3A_6 = tpu.memref_slice %arg6[%add3A, %dma_start3A] : memref<32x10240xf32, #tpu.memory_space<hbm>> -> memref<1x10240xf32, #tpu.memory_space<hbm>>
      %dma_start3A_7 = tpu.memref_squeeze %dma_start3A_6 : memref<1x10240xf32, #tpu.memory_space<hbm>> -> memref<10240xf32, #tpu.memory_space<hbm>>
      %dma_start3A_8 = arith.constant 0 : i32
      %dma_start3A_9 = tpu.memref_slice %arg6[%add3A, %dma_start3A_8] : memref<32x10240xf32, #tpu.memory_space<hbm>> -> memref<1x10240xf32, #tpu.memory_space<hbm>>
      %dma_start3A_10 = tpu.memref_squeeze %dma_start3A_9 : memref<1x10240xf32, #tpu.memory_space<hbm>> -> memref<10240xf32, #tpu.memory_space<hbm>>
      tpu.enqueue_dma source(%arg10 : memref<10240xf32, #tpu.memory_space<vmem>>) target(%dma_start3A_10 : memref<10240xf32, #tpu.memory_space<hbm>>) target_semaphore(%run_scoped3A : memref<!tpu.dma_semaphore, #tpu.memory_space<semaphore_mem>>)
      %dma_wait3A = arith.constant 0 : i32
      %dma_wait3A_11 = tpu.memref_slice %arg6[%add3A, %dma_wait3A] : memref<32x10240xf32, #tpu.memory_space<hbm>> -> memref<1x10240xf32, #tpu.memory_space<hbm>>
      %dma_wait3A_12 = tpu.memref_squeeze %dma_wait3A_11 : memref<1x10240xf32, #tpu.memory_space<hbm>> -> memref<10240xf32, #tpu.memory_space<hbm>>
      %dma_wait3A_13 = arith.constant 0 : i32
      %dma_wait3A_14 = tpu.memref_slice %arg6[%add3A, %dma_wait3A_13] : memref<32x10240xf32, #tpu.memory_space<hbm>> -> memref<1x10240xf32, #tpu.memory_space<hbm>>
      %dma_wait3A_15 = tpu.memref_squeeze %dma_wait3A_14 : memref<1x10240xf32, #tpu.memory_space<hbm>> -> memref<10240xf32, #tpu.memory_space<hbm>>
      tpu.wait_dma2 semaphore(%run_scoped3A : memref<!tpu.dma_semaphore, #tpu.memory_space<semaphore_mem>>) src(%arg10 : memref<10240xf32, #tpu.memory_space<vmem>>) dst(%dma_wait3A_15 : memref<10240xf32, #tpu.memory_space<hbm>>)
      tpu.yield
    }) : () -> ()
    return
  }
}

module attributes {stable_mosaic.version = 14 : i64} {
  func.func @_tc_prescale_body(%arg0: i32, %arg1: memref<1280x128xf32, #tpu.memory_space<vmem>>, %arg2: memref<128x128xf32, #tpu.memory_space<vmem>>, %arg3: memref<32x1280xf32, #tpu.memory_space<vmem>>, %arg4: memref<1280x128xf32, #tpu.memory_space<vmem>>, %arg5: memref<1280x8xf32, #tpu.memory_space<vmem>>) attributes {dimension_semantics = [#tpu.dimension_semantics<arbitrary>], iteration_bounds = array<i64: 8>, scalar_prefetch = 0 : i64, scratch_operands = 0 : i64, tpu.core_type = #tpu.core_type<tc>, window_params = [{transform_indices = @transform_0, window_bounds = array<i64: 1280, 128>}, {pipeline_mode = #tpu.pipeline_mode<synchronous>, transform_indices = @transform_1, window_bounds = array<i64: 128, 128>}, {transform_indices = @transform_2, window_bounds = array<i64: 32, 1280>}, {transform_indices = @transform_3, window_bounds = array<i64: 1280, 128>}, {transform_indices = @transform_4, window_bounds = array<i64: 1280, 8>}]} {
    %get3A = arith.constant 0 : index
    %get3A_0 = arith.constant 0 : index
    %get3A_1 = vector.load %arg3[%get3A, %get3A_0] : memref<32x1280xf32, #tpu.memory_space<vmem>>, vector<32x1280xf32>
    %reduce_sum3A = arith.constant dense<0.000000e+00> : vector<1280xf32>
    %reduce_sum3A_2 = vector.multi_reduction <add>, %get3A_1, %reduce_sum3A [0] : vector<32x1280xf32> to vector<1280xf32>
    %add3A = arith.constant 1.000000e+00 : f32
    %add3A_3 = vector.broadcast %add3A : f32 to vector<1280xf32>
    %add3A_4 = arith.addf %reduce_sum3A_2, %add3A_3 : vector<1280xf32>
    %rsqrt3A = math.rsqrt %add3A_4 : vector<1280xf32>
    %get3A_5 = arith.constant 0 : index
    %get3A_6 = arith.constant 0 : index
    %get3A_7 = vector.load %arg1[%get3A_5, %get3A_6] : memref<1280x128xf32, #tpu.memory_space<vmem>>, vector<1280x128xf32>
    %get3A_8 = arith.constant 0 : index
    %get3A_9 = arith.constant 0 : index
    %get3A_10 = vector.load %arg2[%get3A_8, %get3A_9] : memref<128x128xf32, #tpu.memory_space<vmem>>, vector<128x128xf32>
    %dot_general3A = arith.constant dense<0.000000e+00> : vector<1280x128xf32>
    %dot_general3A_11 = tpu.matmul %get3A_7, %get3A_10, %dot_general3A {dimension_numbers = #tpu.dot_dimension_numbers<[1], [0], [0], [1], [0, 0, 1, 1], [], []>, transpose_lhs_hint = false} : vector<1280x128xf32>, vector<128x128xf32>, vector<1280x128xf32> -> vector<1280x128xf32>
    %broadcast_in_dim3A = vector.shape_cast %rsqrt3A : vector<1280xf32> to vector<1280x1xf32>
    %mul3A = vector.broadcast %broadcast_in_dim3A : vector<1280x1xf32> to vector<1280x128xf32>
    %mul3A_12 = arith.mulf %mul3A, %dot_general3A_11 : vector<1280x128xf32>
    %swap3A = arith.constant 0 : index
    %swap3A_13 = arith.constant 0 : index
    %swap3A_14 = vector.load %arg4[%swap3A, %swap3A_13] : memref<1280x128xf32, #tpu.memory_space<vmem>>, vector<1280x128xf32>
    tpu.vector_store %arg4[%swap3A, %swap3A_13], %mul3A_12 {strides = array<i32>} : memref<1280x128xf32, #tpu.memory_space<vmem>>, vector<1280x128xf32>,
    %broadcast_in_dim3A_15 = vector.shape_cast %broadcast_in_dim3A : vector<1280x1xf32> to vector<1280x1xf32>
    %broadcast_in_dim3A_16 = vector.broadcast %broadcast_in_dim3A_15 : vector<1280x1xf32> to vector<1280x8xf32>
    %swap3A_17 = arith.constant 0 : index
    %swap3A_18 = arith.constant 0 : index
    %swap3A_19 = vector.load %arg5[%swap3A_17, %swap3A_18] : memref<1280x8xf32, #tpu.memory_space<vmem>>, vector<1280x8xf32>
    tpu.vector_store %arg5[%swap3A_17, %swap3A_18], %broadcast_in_dim3A_16 {strides = array<i32>} : memref<1280x8xf32, #tpu.memory_space<vmem>>, vector<1280x8xf32>,
    return
  }
  func.func @transform_0(%arg0: i32) -> (i32, i32) {
    %c0_i32 = arith.constant 0 : i32
    %c0_i32_0 = arith.constant 0 : i32
    return %arg0, %c0_i32 : i32, i32
  }
  func.func @transform_1(%arg0: i32) -> (i32, i32) {
    %c0_i32 = arith.constant 0 : i32
    %c0_i32_0 = arith.constant 0 : i32
    %c0_i32_1 = arith.constant 0 : i32
    return %c0_i32, %c0_i32_0 : i32, i32
  }
  func.func @transform_2(%arg0: i32) -> (i32, i32) {
    %c0_i32 = arith.constant 0 : i32
    %c0_i32_0 = arith.constant 0 : i32
    return %c0_i32, %arg0 : i32, i32
  }
  func.func @transform_3(%arg0: i32) -> (i32, i32) {
    %c0_i32 = arith.constant 0 : i32
    %c0_i32_0 = arith.constant 0 : i32
    return %arg0, %c0_i32 : i32, i32
  }
  func.func @transform_4(%arg0: i32) -> (i32, i32) {
    %c0_i32 = arith.constant 0 : i32
    %c0_i32_0 = arith.constant 0 : i32
    return %arg0, %c0_i32 : i32, i32
  }
}

module attributes {stable_mosaic.version = 14 : i64} {
  func.func @_tc_finish_body(%arg0: i32, %arg1: memref<2x1280x128xf32, #tpu.memory_space<vmem>>, %arg2: memref<1280x128xf32, #tpu.memory_space<vmem>>, %arg3: memref<1280x8xf32, #tpu.memory_space<vmem>>, %arg4: memref<32x1280xf32, #tpu.memory_space<vmem>>, %arg5: memref<128x128xf32, #tpu.memory_space<vmem>>, %arg6: memref<1x128xf32, #tpu.memory_space<vmem>>, %arg7: memref<1x128xf32, #tpu.memory_space<vmem>>, %arg8: memref<128x1024xf32, #tpu.memory_space<vmem>>, %arg9: memref<1x1024xf32, #tpu.memory_space<vmem>>, %arg10: memref<1x1024xf32, #tpu.memory_space<vmem>>, %arg11: memref<1x128xf32, #tpu.memory_space<vmem>>) attributes {dimension_semantics = [#tpu.dimension_semantics<arbitrary>], iteration_bounds = array<i64: 8>, scalar_prefetch = 0 : i64, scratch_operands = 1 : i64, tpu.core_type = #tpu.core_type<tc>, window_params = [{transform_indices = @transform_0, window_bounds = array<i64: 2, 1280, 128>}, {transform_indices = @transform_1, window_bounds = array<i64: 1280, 128>}, {transform_indices = @transform_2, window_bounds = array<i64: 1280, 8>}, {transform_indices = @transform_3, window_bounds = array<i64: 32, 1280>}, {pipeline_mode = #tpu.pipeline_mode<synchronous>, transform_indices = @transform_4, window_bounds = array<i64: 128, 128>}, {pipeline_mode = #tpu.pipeline_mode<synchronous>, transform_indices = @transform_5, window_bounds = array<i64: 1, 128>}, {pipeline_mode = #tpu.pipeline_mode<synchronous>, transform_indices = @transform_6, window_bounds = array<i64: 1, 128>}, {pipeline_mode = #tpu.pipeline_mode<synchronous>, transform_indices = @transform_7, window_bounds = array<i64: 128, 1024>}, {pipeline_mode = #tpu.pipeline_mode<synchronous>, transform_indices = @transform_8, window_bounds = array<i64: 1, 1024>}, {pipeline_mode = #tpu.pipeline_mode<synchronous>, transform_indices = @transform_9, window_bounds = array<i64: 1, 1024>}]} {
    %eq3A = arith.constant 0 : i32
    %eq3A_0 = arith.cmpi eq, %arg0, %eq3A : i32
    %convert_element_type3A = arith.extui %eq3A_0 : i1 to i32
    %cond3A = arith.constant 0 : i32
    %cond3A_1 = arith.cmpi ne, %convert_element_type3A, %cond3A : i32
    scf.if %cond3A_1 {
      %broadcast_in_dim3A_55 = arith.constant 0.000000e+00 : f32
      %broadcast_in_dim3A_56 = vector.broadcast %broadcast_in_dim3A_55 : f32 to vector<1x128xf32>
      %swap3A_57 = arith.constant 0 : index
      %swap3A_58 = arith.constant 0 : index
      %swap3A_59 = vector.load %arg11[%swap3A_57, %swap3A_58] : memref<1x128xf32, #tpu.memory_space<vmem>>, vector<1x128xf32>
      tpu.vector_store %arg11[%swap3A_57, %swap3A_58], %broadcast_in_dim3A_56 {strides = array<i32>} : memref<1x128xf32, #tpu.memory_space<vmem>>, vector<1x128xf32>,
    } else {
    }
    %get3A = arith.constant 0 : index
    %get3A_2 = arith.constant 0 : index
    %get3A_3 = vector.load %arg3[%get3A, %get3A_2] : memref<1280x8xf32, #tpu.memory_space<vmem>>, vector<1280x1xf32>
    %get3A_4 = arith.constant 0 : index
    %get3A_5 = arith.constant 0 : index
    %get3A_6 = arith.constant 0 : index
    %get3A_7 = vector.load %arg1[%get3A_4, %get3A_5, %get3A_6] : memref<2x1280x128xf32, #tpu.memory_space<vmem>>, vector<1x1280x128xf32>
    %get3A_8 = vector.shape_cast %get3A_7 : vector<1x1280x128xf32> to vector<1280x128xf32>
    %get3A_9 = arith.constant 1 : index
    %get3A_10 = arith.constant 0 : index
    %get3A_11 = arith.constant 0 : index
    %get3A_12 = vector.load %arg1[%get3A_9, %get3A_10, %get3A_11] : memref<2x1280x128xf32, #tpu.memory_space<vmem>>, vector<1x1280x128xf32>
    %get3A_13 = vector.shape_cast %get3A_12 : vector<1x1280x128xf32> to vector<1280x128xf32>
    %add3A = arith.addf %get3A_8, %get3A_13 : vector<1280x128xf32>
    %get3A_14 = arith.constant 0 : index
    %get3A_15 = arith.constant 0 : index
    %get3A_16 = vector.load %arg2[%get3A_14, %get3A_15] : memref<1280x128xf32, #tpu.memory_space<vmem>>, vector<1280x128xf32>
    %add3A_17 = arith.addf %add3A, %get3A_16 : vector<1280x128xf32>
    %mul3A = vector.broadcast %get3A_3 : vector<1280x1xf32> to vector<1280x128xf32>
    %mul3A_18 = arith.mulf %mul3A, %add3A_17 : vector<1280x128xf32>
    %get3A_19 = arith.constant 0 : index
    %get3A_20 = arith.constant 0 : index
    %get3A_21 = vector.load %arg6[%get3A_19, %get3A_20] : memref<1x128xf32, #tpu.memory_space<vmem>>, vector<1x128xf32>
    %add3A_22 = vector.broadcast %get3A_21 : vector<1x128xf32> to vector<1280x128xf32>
    %add3A_23 = arith.addf %mul3A_18, %add3A_22 : vector<1280x128xf32>
    %max3A = arith.constant 0.000000e+00 : f32
    %max3A_24 = vector.broadcast %max3A : f32 to vector<1280x128xf32>
    %max3A_25 = arith.maximumf %add3A_23, %max3A_24 : vector<1280x128xf32>
    %get3A_26 = arith.constant 0 : index
    %get3A_27 = arith.constant 0 : index
    %get3A_28 = vector.load %arg4[%get3A_26, %get3A_27] : memref<32x1280xf32, #tpu.memory_space<vmem>>, vector<32x1280xf32>
    %reduce_sum3A = arith.constant dense<0.000000e+00> : vector<1280xf32>
    %reduce_sum3A_29 = vector.multi_reduction <add>, %get3A_28, %reduce_sum3A [0] : vector<32x1280xf32> to vector<1280xf32>
    %broadcast_in_dim3A = vector.shape_cast %reduce_sum3A_29 : vector<1280xf32> to vector<1280x1xf32>
    %add3A_30 = arith.addf %broadcast_in_dim3A, %get3A_3 : vector<1280x1xf32>
    %mul3A_31 = arith.constant 1280 : i32
    %mul3A_32 = arith.muli %arg0, %mul3A_31 : i32
    %iota3A = tpu.iota {dimensions = array<i32: 0>} : vector<1280x1xi32>
    %add3A_33 = vector.broadcast %mul3A_32 : i32 to vector<1280x1xi32>
    %add3A_34 = arith.addi %add3A_33, %iota3A : vector<1280x1xi32>
    %lt3A = arith.constant 10000 : i32
    %lt3A_35 = vector.broadcast %lt3A : i32 to vector<1280x1xi32>
    %lt3A_36 = arith.cmpi slt, %add3A_34, %lt3A_35 : vector<1280x1xi32>
    %mul3A_37 = arith.mulf %get3A_3, %add3A_30 : vector<1280x1xf32>
    %jit3A = arith.constant 0.000000e+00 : f32
    %broadcast_in_dim3A_38 = vector.broadcast %jit3A : f32 to vector<1280x1xf32>
    %select_n3A = arith.select %lt3A_36, %mul3A_37, %broadcast_in_dim3A_38 : vector<1280x1xi1>, vector<1280x1xf32>
    %get3A_39 = arith.constant 0 : index
    %get3A_40 = arith.constant 0 : index
    %get3A_41 = vector.load %arg11[%get3A_39, %get3A_40] : memref<1x128xf32, #tpu.memory_space<vmem>>, vector<1x128xf32>
    %mul3A_42 = vector.broadcast %select_n3A : vector<1280x1xf32> to vector<1280x128xf32>
    %mul3A_43 = arith.mulf %mul3A_42, %max3A_25 : vector<1280x128xf32>
    %reduce_sum3A_44 = arith.constant dense<0.000000e+00> : vector<128xf32>
    %reduce_sum3A_45 = vector.multi_reduction <add>, %mul3A_43, %reduce_sum3A_44 [0] : vector<1280x128xf32> to vector<128xf32>
    %broadcast_in_dim3A_46 = vector.shape_cast %reduce_sum3A_45 : vector<128xf32> to vector<1x128xf32>
    %add3A_47 = arith.addf %get3A_41, %broadcast_in_dim3A_46 : vector<1x128xf32>
    %swap3A = arith.constant 0 : index
    %swap3A_48 = arith.constant 0 : index
    %swap3A_49 = vector.load %arg11[%swap3A, %swap3A_48] : memref<1x128xf32, #tpu.memory_space<vmem>>, vector<1x128xf32>
    tpu.vector_store %arg11[%swap3A, %swap3A_48], %add3A_47 {strides = array<i32>} : memref<1x128xf32, #tpu.memory_space<vmem>>, vector<1x128xf32>,
    %eq3A_50 = arith.constant 7 : i32
    %eq3A_51 = arith.cmpi eq, %arg0, %eq3A_50 : i32
    %convert_element_type3A_52 = arith.extui %eq3A_51 : i1 to i32
    %cond3A_53 = arith.constant 0 : i32
    %cond3A_54 = arith.cmpi ne, %convert_element_type3A_52, %cond3A_53 : i32
    scf.if %cond3A_54 {
      %get3A_55 = arith.constant 0 : index
      %get3A_56 = arith.constant 0 : index
      %get3A_57 = vector.load %arg11[%get3A_55, %get3A_56] : memref<1x128xf32, #tpu.memory_space<vmem>>, vector<1x128xf32>
      %get3A_58 = arith.constant 0 : index
      %get3A_59 = arith.constant 0 : index
      %get3A_60 = vector.load %arg5[%get3A_58, %get3A_59] : memref<128x128xf32, #tpu.memory_space<vmem>>, vector<128x128xf32>
      %dot_general3A = arith.constant dense<0.000000e+00> : vector<1x128xf32>
      %dot_general3A_61 = tpu.matmul %get3A_57, %get3A_60, %dot_general3A {dimension_numbers = #tpu.dot_dimension_numbers<[1], [0], [0], [1], [0, 0, 1, 1], [], []>, transpose_lhs_hint = false} : vector<1x128xf32>, vector<128x128xf32>, vector<1x128xf32> -> vector<1x128xf32>
      %div3A = arith.constant 1.000000e+04 : f32
      %div3A_62 = vector.broadcast %div3A : f32 to vector<1x128xf32>
      %div3A_63 = arith.divf %dot_general3A_61, %div3A_62 : vector<1x128xf32>
      %get3A_64 = arith.constant 0 : index
      %get3A_65 = arith.constant 0 : index
      %get3A_66 = vector.load %arg7[%get3A_64, %get3A_65] : memref<1x128xf32, #tpu.memory_space<vmem>>, vector<1x128xf32>
      %add3A_67 = arith.addf %div3A_63, %get3A_66 : vector<1x128xf32>
      %get3A_68 = arith.constant 0 : index
      %get3A_69 = arith.constant 0 : index
      %get3A_70 = vector.load %arg8[%get3A_68, %get3A_69] : memref<128x1024xf32, #tpu.memory_space<vmem>>, vector<128x1024xf32>
      %dot_general3A_71 = arith.constant dense<0.000000e+00> : vector<1x1024xf32>
      %dot_general3A_72 = tpu.matmul %add3A_67, %get3A_70, %dot_general3A_71 {dimension_numbers = #tpu.dot_dimension_numbers<[1], [0], [0], [1], [0, 0, 1, 1], [], []>, transpose_lhs_hint = false} : vector<1x128xf32>, vector<128x1024xf32>, vector<1x1024xf32> -> vector<1x1024xf32>
      %get3A_73 = arith.constant 0 : index
      %get3A_74 = arith.constant 0 : index
      %get3A_75 = vector.load %arg9[%get3A_73, %get3A_74] : memref<1x1024xf32, #tpu.memory_space<vmem>>, vector<1x1024xf32>
      %add3A_76 = arith.addf %dot_general3A_72, %get3A_75 : vector<1x1024xf32>
      %swap3A_77 = arith.constant 0 : index
      %swap3A_78 = arith.constant 0 : index
      %swap3A_79 = vector.load %arg10[%swap3A_77, %swap3A_78] : memref<1x1024xf32, #tpu.memory_space<vmem>>, vector<1x1024xf32>
      tpu.vector_store %arg10[%swap3A_77, %swap3A_78], %add3A_76 {strides = array<i32>} : memref<1x1024xf32, #tpu.memory_space<vmem>>, vector<1x1024xf32>,
    } else {
    }
    return
  }
  func.func @transform_0(%arg0: i32) -> (i32, i32, i32) {
    %c0_i32 = arith.constant 0 : i32
    %c0_i32_0 = arith.constant 0 : i32
    %c0_i32_1 = arith.constant 0 : i32
    return %c0_i32, %arg0, %c0_i32_0 : i32, i32, i32
  }
  func.func @transform_1(%arg0: i32) -> (i32, i32) {
    %c0_i32 = arith.constant 0 : i32
    %c0_i32_0 = arith.constant 0 : i32
    return %arg0, %c0_i32 : i32, i32
  }
  func.func @transform_2(%arg0: i32) -> (i32, i32) {
    %c0_i32 = arith.constant 0 : i32
    %c0_i32_0 = arith.constant 0 : i32
    return %arg0, %c0_i32 : i32, i32
  }
  func.func @transform_3(%arg0: i32) -> (i32, i32) {
    %c0_i32 = arith.constant 0 : i32
    %c0_i32_0 = arith.constant 0 : i32
    return %c0_i32, %arg0 : i32, i32
  }
  func.func @transform_4(%arg0: i32) -> (i32, i32) {
    %c0_i32 = arith.constant 0 : i32
    %c0_i32_0 = arith.constant 0 : i32
    %c0_i32_1 = arith.constant 0 : i32
    return %c0_i32, %c0_i32_0 : i32, i32
  }
  func.func @transform_5(%arg0: i32) -> (i32, i32) {
    %c0_i32 = arith.constant 0 : i32
    %c0_i32_0 = arith.constant 0 : i32
    %c0_i32_1 = arith.constant 0 : i32
    return %c0_i32, %c0_i32_0 : i32, i32
  }
  func.func @transform_6(%arg0: i32) -> (i32, i32) {
    %c0_i32 = arith.constant 0 : i32
    %c0_i32_0 = arith.constant 0 : i32
    %c0_i32_1 = arith.constant 0 : i32
    return %c0_i32, %c0_i32_0 : i32, i32
  }
  func.func @transform_7(%arg0: i32) -> (i32, i32) {
    %c0_i32 = arith.constant 0 : i32
    %c0_i32_0 = arith.constant 0 : i32
    %c0_i32_1 = arith.constant 0 : i32
    return %c0_i32, %c0_i32_0 : i32, i32
  }
  func.func @transform_8(%arg0: i32) -> (i32, i32) {
    %c0_i32 = arith.constant 0 : i32
    %c0_i32_0 = arith.constant 0 : i32
    %c0_i32_1 = arith.constant 0 : i32
    return %c0_i32, %c0_i32_0 : i32, i32
  }
  func.func @transform_9(%arg0: i32) -> (i32, i32) {
    %c0_i32 = arith.constant 0 : i32
    %c0_i32_0 = arith.constant 0 : i32
    %c0_i32_1 = arith.constant 0 : i32
    return %c0_i32, %c0_i32_0 : i32, i32
  }
}

</mosaic_0001>

<sc_bundles>
// kernel: kernel.10.cloned.1.call-start
scs
__scs_entry_jumppad:
0x0: {  	(pc) =	sbr.rel $0x88, $3  }
0x1: {  	(tag) =	ssettag $0x0;
	lr =	simm.s32 $0x1  }
0x2: {  	[smem:$0x3F99] =	sst lr;
	_ =	strace $0xD0000000  }
0x3: {  	_ = 	snop  }
0x4: {  	_ = 	snop  }
0x5: {  	_ = 	snop  }
0x6: {  	_ = 	snop  }
0x7: {  	_ = 	snop  }
__scs_overlays_trampoline_lowered:
0x8: {  	[smem:$0x3FA8] =	sst s0  }
0x9: {  	[smem:$0x3FA9] =	sst s1  }
0xa: {  	[smem:$0x3FAA] =	sst s2  }
0xb: {  	[smem:$0x3FAB] =	sst s3  }
0xc: {  	[smem:$0x3FAC] =	sst s4  }
0xd: {  	[smem:$0x3FAD] =	sst s5  }
0xe: {  	[smem:$0x3FAE] =	sst s6  }
0xf: {  	[smem:$0x3FAF] =	sst s7  }
0x10: {  	[smem:$0x3FB0] =	sst s8  }
0x11: {  	[smem:$0x3FB1] =	sst s9;
	s0 =	simm.s32 @!p0 $0x0  }
0x12: {  	s1 =	sld [smem:$0x3F97];
	s0 =	simm.s32 @p0 $0x1  }
0x13: {  	[smem:$0x3FB2] =	sst s0;
	s0 =	simm.s32 @!p1 $0x0  }
0x14: {  	s2 =	sld [smem:$0x3F96];
	s0 =	simm.s32 @p1 $0x1  }
0x15: {  	[smem:$0x3FB3] =	sst s0;
	s0 =	simm.s32 @!p2 $0x0  }
0x16: {  	s3 =	sld [smem:$0x3FDB];
	s0 =	simm.s32 @p2 $0x1  }
0x17: {  	s4 =	simm.s32 $0x1BF5;
	[smem:$0x3FB5] =	sst s0  }
0x18: {  	s0 =	sld [smem:$0x3F98];
	_ =	swait.ge [sflag:s4], $0x0  }
0x19: {  	s7 =	sld [smem:$0x3F99]  }
0x1a: {  	s8 =	sadd.s32 $0xFFFFE003, lr  }
0x1b: {  	s9 =	sadd.s32 $0xFFFFFEF7, lr;
	s5 =	simm.s32 $0xFFFFFFFF;
	p2 =	slt.u32 s8, $0xFFFFF086  }
0x1c: {  	p1 =	slt.u32 s9, $0xF7A;
	s5 =	simm.s32 @!p2 $0x0  }
0x1d: {  	s5 =	simm.s32 @p1 $0x1;
	p0 =	seq.s32 s7, s2  }
0x1e: {  	s7 =	smul.u32 @!p0 $0xF7A, s2;
	p2 =	seq.s32 @!p0 s5, $0x0  }
0x1f: {  	s9 =	smul.u32 $0xF7A, s1;
	s8 =	simm.s32 @!p0 $0x1BF5;
	p2 =	por !p2, p0  }
0x20: {  	[sflag:s8] =	ssyncset.s32 @!p0 $0xFFFFF086;
	s6 =	sadd.s32 @!p0 s3, s7;
	s7 =	simm.s32 @!p0 $0x108  }
0x21: {  	s3 =	sadd.s32 s3, s9;
	s6 =	sadd.s32 @!p0 $0x88, s6;
	s7 =	simm.s32 @p2 $0x1082  }
0x22: {  	[simem:s7], [sflag:s8] =	dma.local @!p0 [hbm:s6], $0xF7A  }
0x23: {  	s9 =	sor.u32 $0xD0000000, s2;
	s6 =	simm.s32 $0x108;
	_ =	swait.ge @!p0 [sflag:s8], $0x0  }
0x24: {  	s3 =	sadd.s32 $0x88, s3;
	s6 =	simm.s32 @!p1 $0x1082;
	[sflag:s4] =	ssyncset.s32 $0xFFFFF086  }
0x25: {  	[simem:s6], [sflag:s4] =	dma.local [hbm:s3], $0xF7A  }
0x26: {  	[smem:$0x3F99] =	sst s1;
	(tag) =	ssettag s2;
	_ =	strace s9  }
0x27: {  	s1 =	sld [smem:$0x3FA9]  }
0x28: {  	s2 =	sld [smem:$0x3FAA]  }
0x29: {  	s4 =	sld [smem:$0x3FAC]  }
0x2a: {  	p0 =	seq.s32 s5, $0x0;
	s5 =	sld [smem:$0x3FAD]  }
0x2b: {  	s6 =	sld [smem:$0x3FAE]  }
0x2c: {  	s7 =	sld [smem:$0x3FAF]  }
0x2d: {  	s3 =	simm.s32 $0x108;
	s8 =	sld [smem:$0x3FB0]  }
0x2e: {  	s3 =	simm.s32 @!p0 $0x1082;
	s9 =	sld [smem:$0x3FB1]  }
0x2f: {  	lr =	sadd.s32 s0, s3;
	s0 =	sld [smem:$0x3FA8]  }
0x30: {  	s3 =	sld [smem:$0x3FAB]  }
0x31: {  	[smem:$0x3FB4] =	sst s10  }
0x32: {  	s10 =	sld [smem:$0x3FB2];
	_ =	sdelay $0x3  }
0x33: {  	p0 =	seq.s32 s10, $0x1;
	s10 =	sld [smem:$0x3FB4];
	_ =	sdelay $0x3  }
0x34: {  	[smem:$0x3FB4] =	sst s10  }
0x35: {  	s10 =	sld [smem:$0x3FB3];
	_ =	sdelay $0x3  }
0x36: {  	p1 =	seq.s32 s10, $0x1;
	s10 =	sld [smem:$0x3FB4];
	_ =	sdelay $0x3  }
0x37: {  	[smem:$0x3FB4] =	sst s10  }
0x38: {  	s10 =	sld [smem:$0x3FB5]  }
0x39: {  	_ = 	snop;
	(pc) =	sbr.ind lr, $3  }
0x3a: {  	_ = 	snop  }
0x3b: {  	_ = 	snop  }
0x3c: {  	p2 =	seq.s32 s10, $0x1;
	s10 =	sld [smem:$0x3FB4]  }
0x3d: {  	_ =	shalt  }
0x3e: {  	_ =	shalt  }
0x3f: {  	_ =	shalt  }
0x40: {  	_ =	shalt  }
0x41: {  	_ =	shalt  }
0x42: {  	_ =	shalt  }
0x43: {  	_ =	shalt  }
0x44: {  	_ =	shalt  }
0x45: {  	_ =	shalt  }
0x46: {  	_ =	shalt  }
0x47: {  	_ =	shalt  }
0x48: {  	_ =	shalt  }
0x49: {  	_ =	shalt  }
0x4a: {  	_ =	shalt  }
0x4b: {  	_ =	shalt  }
0x4c: {  	_ =	shalt  }
0x4d: {  	_ =	shalt  }
0x4e: {  	_ =	shalt  }
0x4f: {  	_ =	shalt  }
0x50: {  	_ =	shalt  }
0x51: {  	_ =	shalt  }
0x52: {  	_ =	shalt  }
0x53: {  	_ =	shalt  }
0x54: {  	_ =	shalt  }
0x55: {  	_ =	shalt  }
0x56: {  	_ =	shalt  }
0x57: {  	_ =	shalt  }
0x58: {  	_ =	shalt  }
0x59: {  	_ =	shalt  }
0x5a: {  	_ =	shalt  }
0x5b: {  	_ =	shalt  }
0x5c: {  	_ =	shalt  }
0x5d: {  	_ =	shalt  }
0x5e: {  	_ =	shalt  }
0x5f: {  	_ =	shalt  }
0x60: {  	_ =	shalt  }
0x61: {  	_ =	shalt  }
0x62: {  	_ =	shalt  }
0x63: {  	_ =	shalt  }
0x64: {  	_ =	shalt  }
0x65: {  	_ =	shalt  }
0x66: {  	_ =	shalt  }
0x67: {  	_ =	shalt  }
0x68: {  	_ =	shalt  }
0x69: {  	_ =	shalt  }
0x6a: {  	_ =	shalt  }
0x6b: {  	_ =	shalt  }
0x6c: {  	_ =	shalt  }
0x6d: {  	_ =	shalt  }
0x6e: {  	_ =	shalt  }
0x6f: {  	_ =	shalt  }
0x70: {  	_ =	shalt  }
0x71: {  	_ =	shalt  }
0x72: {  	_ =	shalt  }
0x73: {  	_ =	shalt  }
0x74: {  	_ =	shalt  }
0x75: {  	_ =	shalt  }
0x76: {  	_ =	shalt  }
0x77: {  	_ =	shalt  }
0x78: {  	_ =	shalt  }
0x79: {  	_ =	shalt  }
0x7a: {  	_ =	shalt  }
0x7b: {  	_ =	shalt  }
0x7c: {  	_ =	shalt  }
0x7d: {  	_ =	shalt  }
0x7e: {  	_ =	shalt  }
0x7f: {  	_ =	shalt  }
0x80: {  	_ =	shalt  }
0x81: {  	_ =	shalt  }
0x82: {  	_ =	shalt  }
0x83: {  	_ =	shalt  }
0x84: {  	_ =	shalt  }
0x85: {  	_ =	shalt  }
0x86: {  	_ =	shalt  }
0x87: {  	_ =	shalt  }
.Lfunc_end0:
.L_simem_size_0:
called_computation.1_lowered:
.L_overlay_start_0:
0x88: {  	s2 =	sld [smem:$0x3FD9]  }
0x89: {  	s3 =	sld [smem:$0x3FFE];
	_ =	sdelay $0x1  }
0x8a: {  	s1 =	srdreg.scid  }
0x8b: {  	s0 =	sand.u32 $0x1, s1  }
0x8c: {  	s16 =	sshll.u32 s0, $0xA;
	s2 =	sadd.s32 s3, s2  }
0x8d: {  	s2 =	sadd.s32 s2, s16  }
0x8e: {  	[smem:$0x3FC0] =	sst s2  }
0x8f: {  	_ = 	snop  }
0x90: {  	(tm) =	ssettm $0x1  }
0x91: {  	s17 =	sld [smem:$0x3FFB];
	_ =	sdelay $0x3  }
0x92: {  	_ =	strace s17  }
0x93: {  	s2 =	sld [smem:$0x3FFC];
	_ =	sdelay $0x3  }
0x94: {  	_ =	strace s2  }
0x95: {  	s2 =	sld [smem:$0x3FFD];
	_ =	sdelay $0x3  }
0x96: {  	_ =	strace s2  }
0x97: {  	_ =	strace $0x8FFFFFFF  }
0x98: {  	s18 =	sld [smem:$0x3FDB];
	_ =	sdelay $0x1  }
0x99: {  	s19 =	simm.s32 $_scs_section_size  }
0x9a: {  	s4 =	simm.s32 $_size__tile_overlayer_lowered;
	s5 =	simm.s32 $_tile_overlayer_lowered  }
0x9b: {  	s22 =	simm.s32 $0x1BFF;
	s21 =	sshll.u32 s5, $0x1;
	s2 =	sadd.s32 s19, s18  }
0x9c: {  	s6 =	simm.s32 $0x0;
	s20 =	sshll.u32 s4, $0x1;
	s4 =	sadd.s32 s21, s2  }
0x9d: {  	[timem:s6], [sflag:s22] =	dma.local [hbm:s4], s20  }
0x9e: {  	_ =	swait.ge [sflag:s22], s20  }
0x9f: {  	s3 =	ssub.s32 $0x0, s20;
	[sflag:s22] =	ssyncset.done $0x0  }
0xa0: {  	[sflag:s22] =	ssyncadd.s32 s3;
	_ =	sdelay $0x1  }
0xa1: {  	s23 =	simm.s32 $0x1B8B  }
0xa2: {  	_ =	swait.ge [sflag:s23], $0x1  }
0xa3: {  	[sflag:s23] =	ssyncset.done $0x0  }
0xa4: {  	s25 =	simm.s32 $0x1B8E;
	s24 =	sld [smem:$0x3FFE];
	[sflag:s23] =	ssyncadd.s32 $0xFFFFFFFF  }
0xa5: {  	s26 =	simm.s32 $execute0_lowered;
	[smem:$0x3FD2] =	sst s25  }
0xa6: {  	s4 =	sshll.u32 s26, $0x1;
	_ =	strace $0x80000049;
	[dreg:$0x1] =	wrdreg $0xFFFFFFFF  }
0xa7: {  	s28 =	simm.s32 $_size_execute0_lowered;
	s2 =	sadd.s32 s2, s4;
	[dreg:$0x0] =	wrdreg $0x0  }
0xa8: {  	s4 =	sshll.u32 s28, $0x1;
	[dreg:$0x2] =	wrdreg s2  }
0xa9: {  	[dreg:$0x3] =	wrdreg s4  }
0xaa: {  	[dreg:$0x4] =	wrdreg $0xC0  }
0xab: {  	_ =	task [dreg:s6], $0x5FFFF  }
0xac: {  	[dreg:$0x1] =	wrdreg $0xFFFFFFFF  }
0xad: {  	[dreg:$0x0] =	wrdreg $0x60  }
0xae: {  	[dreg:$0x2] =	wrdreg s24  }
0xaf: {  	[dreg:$0x3] =	wrdreg $0xA8000  }
0xb0: {  	[dreg:$0x4] =	wrdreg $0x9  }
0xb1: {  	_ =	task.clear_ibuf [dreg:s6], $0x5FFFF;
	_ =	strace $0x90000049  }
0xb2: {  	s29 =	simm.s32 $0x9;
	_ =	strace $0x8000004B  }
0xb3: {  	_ =	swait.ge [sflag:s29], $0x1  }
0xb4: {  	[sflag:s29] =	ssyncadd.s32 $0xFFFFFFFF  }
0xb5: {  	_ =	strace $0x9000004B  }
0xb6: {  	_ =	sfence  }
0xb7: {  	s30 =	sld [smem:$0x0];
	_ =	sdelay $0x2  }
0xb8: {  	s31 =	sshll.u32 s1, $0xD;
	s1 =	sshrl.u32 s1, $0x2  }
0xb9: {  	s3 =	sand.u32 $0x4000, s31;
	s1 =	sadd.s32 s1, s30  }
0xba: {  	s0 =	sor.u32 s3, s0;
	s1 =	sshll.u32 s1, $0x11  }
0xbb: {  	s0 =	sor.u32 s1, s0  }
0xbc: {  	s0 =	sadd.s32 $0x8F2B, s0  }
0xbd: {  	[sflag:s0] =	ssyncadd.remote.s32 $0x1  }
0xbe: {  	_ =	sfence.sel $0xFFFF  }
0xbf: {  	[dreg:$0x0] =	wrdreg $0xFFFFFFFF;
	(pc) =	sbr.abs _section_cstart, $3  }
0xc0: {  	[dreg:$0x1] =	wrdreg $0xFFFFFFFF  }
0xc1: {  	_ =	task.clear_ibuf [dreg:s6], $0x2FFFF;
	_ =	strace $0x9FFFFFFF  }
0xc2: {  	(tm) =	ssettm $0x7FFFFFFF  }
0xc3: {  	_ =	shalt  }
tec
execute0_lowered:
.L_overlay_start_1:
0x0: {  	(tag) =	ssettag $0x1  }
0x1: {  	s6 =	rddreg [dreg:$0x0]  }
0x2: {  	s1 =	rddreg [dreg:$0x1]  }
0x3: {  	s2 =	srdreg.scid;
	s0 =	rddreg [dreg:$0x2]  }
0x4: {  	s3 =	simm.s32 $0x0;
	s15 =	simm.s32 $0x1400;
	s16 =	simm.s32 $0x80  }
0x5: {  	s17 =	simm.s32 $0x2800;
	s18 =	simm.s32 $0x6800;
	s19 =	simm.s32 $0x1  }
0x6: {  	s20 =	simm.s32 $0x2;
	s21 =	simm.s32 $0x1380;
	s22 =	simm.s32 $0x2700  }
0x7: {  	s5 =	sand.u32 $0x1, s2;
	s2 =	stileid.u32;
	[smem:$0x7FF] =	sst s3  }
0x8: {  	s4 =	sadd.s32 $0x20A00, s6;
	s9 =	sadd.s32 $0x16A00, s6;
	s7 =	smul.u32 $0x140000, s5  }
0x9: {  	s10 =	sadd.s32 $0x2400, s6;
	s8 =	smul.u32 $0x14000, s2;
	_ =	strace $0x8000004A  }
0xa: {  	s23 =	sshll.u32 s5, $0x4;
	s11 =	ssub.s32 $0x2, s5;
	s25 =	smul.u32 $0x50000, s2  }
0xb: {  	s5 =	sadd.s32 $0xCA00, s6;
	s28 =	sshll.u32 s2, $0x6;
	s24 =	sor.u32 s2, s23  }
0xc: {  	s12 =	sshrl.u32 s11, $0x1;
	s23 =	simm.s32 $0x2780;
	s7 =	sadd.s32 s8, s7  }
0xd: {  	s13 =	smul.u32 $0x2800, s24;
	s12 =	ssub.s32 s11, s12;
	s26 =	sshrl.u32 s25, $0x2  }
0xe: {  	s24 =	simm.s32 $0x0;
	s7 =	sshrl.u32 s7, $0x3;
	s30 =	sadd.s32 s26, s1  }
0xf: {  	s12 =	smax.u32 s12, $0x1;
	s14 =	sadd.s32 s7, s6;
	s29 =	sshrl.u32 s13, $0x3  }
0x10: {  	s6 =	sor.u32 $0x1C03, s28;
	s13 =	sshrl.u32 s30, $0x3;
	s31 =	sadd.s32 $0x280, s29  }
0x11: {  	s7 =	sadd.s32 s9, s29;
	s8 =	sadd.s32 s10, s29;
	s11 =	sadd.s32 $0x48A00, s14  }
0x12: {  	s14 =	simm.s32 $0x3;
	s9 =	sadd.s32 s9, s31;
	s10 =	sadd.s32 s10, s31  }
.LBB2_1:
0x13: {  	[spmem:s13], [sflag:s6] =	dma.local [hbm:s5], $0x2800  }
0x14: {  	_ =	swait.ge [sflag:s14], $0x2800  }
0x15: {  	[sflag:s14] =	ssyncset.done $0x0  }
0x16: {  	[sflag:s14] =	ssyncadd.s32 $0xFFFFD800  }
0x17: {  	[bflag:$0x0] =	sbarrier.arrive $0xFFFF  }
0x18: {  	[tilespmem:s3], [sflag:$0x3] =	stream.linear.gather [hbm4b:s7+s3], $0x1400, $0x38;
	[tilespmem:$0x1E800] =	vst v63  }
0x19: {  	_ =	swait.ge [sflag:s14], $0x1400  }
0x1a: {  	[sflag:s14] =	ssyncset.done $0x0  }
0x1b: {  	[sflag:s14] =	ssyncadd.s32 $0xFFFFEC00  }
0x1c: {  	[tilespmem:s15], [sflag:$0x3] =	stream.linear.gather [hbm4b:s8+s3], $0x1400, $0x38;
	[tilespmem:$0x1E800] =	vst v63  }
0x1d: {  	_ =	swait.ge [sflag:s14], $0x1400  }
0x1e: {  	[sflag:s14] =	ssyncset.done $0x0  }
0x1f: {  	[sflag:s14] =	ssyncadd.s32 $0xFFFFEC00  }
0x20: {  	[tilespmem:s17], [sflag:$0x1] =	stream.indirect.gather [hbm4b:s4+s16], $0x80, s3, s16, $0xb8;
	[tilespmem:$0x1E800] =	vst v63  }
0x21: {  	s25 =	simm.s32 $0x80  }
0x22: {  	[tilespmem:s18], [sflag:$0x2] =	stream.indirect.gather [hbm4b:s4+s16], $0x80, s25, s16, $0xb8;
	[tilespmem:$0x1E800] =	vst v63  }
0x23: {  	_ =	swait.ge [sflag:s19], $0x4000  }
0x24: {  	[sflag:s19] =	ssyncset.done $0x0  }
0x25: {  	s29 =	simm.s32 $0x1400;
	[sflag:s19] =	ssyncadd.s32 $0xFFFFC000  }
0x26: {  	[spmem:s1] =	stream.indirect.scatter.add.f32 [tilespmem:s17], [sflag:$0x3], $0x80, s29, s16, $0xb8;
	[tilespmem:$0x1E800] =	vst v63  }
0x27: {  	_ =	swait.ge [sflag:s14], $0x4000  }
0x28: {  	[sflag:s14] =	ssyncset.done $0x0  }
0x29: {  	s30 =	simm.s32 $0x100;
	[sflag:s14] =	ssyncadd.s32 $0xFFFFC000  }
0x2a: {  	[tilespmem:s17], [sflag:$0x1] =	stream.indirect.gather [hbm4b:s4+s16], $0x80, s30, s16, $0xb8;
	[tilespmem:$0x1E800] =	vst v63  }
0x2b: {  	_ =	swait.ge [sflag:s20], $0x4000  }
0x2c: {  	[sflag:s20] =	ssyncset.done $0x0  }
0x2d: {  	s31 =	simm.s32 $0x1480;
	[sflag:s20] =	ssyncadd.s32 $0xFFFFC000  }
0x2e: {  	[spmem:s1] =	stream.indirect.scatter.add.f32 [tilespmem:s18], [sflag:$0x3], $0x80, s31, s16, $0xb8;
	[tilespmem:$0x1E800] =	vst v63  }
0x2f: {  	_ =	swait.ge [sflag:s14], $0x4000  }
0x30: {  	s26 =	simm.s32 $0x800;
	s25 =	simm.s32 $0x100;
	[sflag:s14] =	ssyncset.done $0x0  }
.LBB2_2:
0x31: {  	s28 =	sadd.s32 $0x80, s25  }
0x32: {  	[sflag:s14] =	ssyncadd.s32 $0xFFFFC000;
	s29 =	smov.u32 s26;
	s30 =	sadd.s32 $0x400, s26  }
0x33: {  	[tilespmem:s18], [sflag:$0x2] =	stream.indirect.gather [hbm4b:s4+s16], $0x80, s28, s16, $0xb8;
	[tilespmem:$0x1E800] =	vst v63  }
0x34: {  	p0 =	sne.s32 s26, $0x4800;
	_ =	swait.ge [sflag:s19], $0x4000  }
0x35: {  	[sflag:s19] =	ssyncset.done $0x0  }
0x36: {  	s26 =	sadd.s32 $0x1400, s25;
	[sflag:s19] =	ssyncadd.s32 $0xFFFFC000  }
0x37: {  	[spmem:s1] =	stream.indirect.scatter.add.f32 [tilespmem:s17], [sflag:$0x3], $0x80, s26, s16, $0xb8;
	[tilespmem:$0x1E800] =	vst v63  }
0x38: {  	_ =	swait.ge [sflag:s14], $0x4000  }
0x39: {  	[sflag:s14] =	ssyncset.done $0x0  }
0x3a: {  	s26 =	sadd.s32 $0x100, s25;
	[sflag:s14] =	ssyncadd.s32 $0xFFFFC000  }
0x3b: {  	[tilespmem:s17], [sflag:$0x1] =	stream.indirect.gather [hbm4b:s4+s16], $0x80, s26, s16, $0xb8;
	[tilespmem:$0x1E800] =	vst v63  }
0x3c: {  	_ =	swait.ge [sflag:s20], $0x4000  }
.Ltmp0:
0x3d: {  	[sflag:s20] =	ssyncset.done $0x0;
	(pc) =	sbr.rel @p0 .LBB2_2-.Ltmp0, $4  }
0x3e: {  	s25 =	sadd.s32 $0x1480, s25;
	[sflag:s20] =	ssyncadd.s32 $0xFFFFC000  }
0x3f: {  	[spmem:s1] =	stream.indirect.scatter.add.f32 [tilespmem:s18], [sflag:$0x3], $0x80, s25, s16, $0xb8;
	[tilespmem:$0x1E800] =	vst v63  }
0x40: {  	_ =	swait.ge [sflag:s14], $0x4000  }
0x41: {  	s26 =	smov.u32 s30;
	s25 =	sshra.s32 s29, $0x2;
	[sflag:s14] =	ssyncset.done $0x0  }
0x42: {  	s26 =	sadd.s32 $0x80, s25;
	[sflag:s14] =	ssyncadd.s32 $0xFFFFC000  }
0x43: {  	[tilespmem:s18], [sflag:$0x2] =	stream.indirect.gather [hbm4b:s4+s16], $0x80, s26, s16, $0xb8;
	[tilespmem:$0x1E800] =	vst v63  }
0x44: {  	_ =	swait.ge [sflag:s19], $0x4000  }
0x45: {  	[sflag:s19] =	ssyncset.done $0x0  }
0x46: {  	s29 =	sadd.s32 $0x1400, s25;
	[sflag:s19] =	ssyncadd.s32 $0xFFFFC000  }
0x47: {  	[spmem:s1] =	stream.indirect.scatter.add.f32 [tilespmem:s17], [sflag:$0x3], $0x80, s29, s16, $0xb8;
	[tilespmem:$0x1E800] =	vst v63  }
0x48: {  	_ =	swait.ge [sflag:s14], $0x4000  }
0x49: {  	[sflag:s14] =	ssyncset.done $0x0  }
0x4a: {  	s30 =	sadd.s32 $0x100, s25;
	[sflag:s14] =	ssyncadd.s32 $0xFFFFC000  }
0x4b: {  	[tilespmem:s17], [sflag:$0x1] =	stream.indirect.gather [hbm4b:s4+s16], $0x80, s30, s16, $0xb8;
	[tilespmem:$0x1E800] =	vst v63  }
0x4c: {  	_ =	swait.ge [sflag:s20], $0x4000  }
0x4d: {  	[sflag:s20] =	ssyncset.done $0x0  }
0x4e: {  	s31 =	sadd.s32 $0x1480, s25;
	[sflag:s20] =	ssyncadd.s32 $0xFFFFC000  }
0x4f: {  	[spmem:s1] =	stream.indirect.scatter.add.f32 [tilespmem:s18], [sflag:$0x3], $0x80, s31, s16, $0xb8;
	[tilespmem:$0x1E800] =	vst v63  }
0x50: {  	_ =	swait.ge [sflag:s14], $0x4000  }
0x51: {  	[sflag:s14] =	ssyncset.done $0x0  }
0x52: {  	[sflag:s14] =	ssyncadd.s32 $0xFFFFC000  }
0x53: {  	[tilespmem:s18], [sflag:$0x2] =	stream.indirect.gather [hbm4b:s4+s16], $0x80, s21, s16, $0xb8;
	[tilespmem:$0x1E800] =	vst v63  }
0x54: {  	_ =	swait.ge [sflag:s19], $0x4000  }
0x55: {  	[sflag:s19] =	ssyncset.done $0x0  }
0x56: {  	[sflag:s19] =	ssyncadd.s32 $0xFFFFC000  }
0x57: {  	[spmem:s1] =	stream.indirect.scatter.add.f32 [tilespmem:s17], [sflag:$0x3], $0x80, s22, s16, $0xb8;
	[tilespmem:$0x1E800] =	vst v63  }
0x58: {  	_ =	swait.ge [sflag:s14], $0x4000  }
0x59: {  	[sflag:s14] =	ssyncset.done $0x0  }
0x5a: {  	[sflag:s14] =	ssyncadd.s32 $0xFFFFC000  }
0x5b: {  	[tilespmem:s17], [sflag:$0x1] =	stream.indirect.gather [hbm4b:s4+s16], $0x80, s21, s16, $0xb8;
	[tilespmem:$0x1E800] =	vst v63  }
0x5c: {  	_ =	swait.ge [sflag:s20], $0x4000  }
0x5d: {  	[sflag:s20] =	ssyncset.done $0x0  }
0x5e: {  	[sflag:s20] =	ssyncadd.s32 $0xFFFFC000  }
0x5f: {  	[spmem:s1] =	stream.indirect.scatter.add.f32 [tilespmem:s18], [sflag:$0x3], $0x80, s23, s16, $0xb8;
	[tilespmem:$0x1E800] =	vst v63  }
0x60: {  	_ =	swait.ge [sflag:s14], $0x4000  }
0x61: {  	[sflag:s14] =	ssyncset.done $0x0  }
0x62: {  	[sflag:s14] =	ssyncadd.s32 $0xFFFFC000  }
0x63: {  	_ =	swait.ge [sflag:s19], $0x4000  }
0x64: {  	[sflag:s19] =	ssyncset.done $0x0  }
0x65: {  	s26 =	simm.s32 $0x0;
	[sflag:s19] =	ssyncadd.s32 $0xFFFFC000  }
0x66: {  	[tilespmem:s26], [sflag:$0x3] =	stream.linear.gather [hbm4b:s9+s26], $0x1400, $0x38;
	[tilespmem:$0x1E800] =	vst v63  }
0x67: {  	_ =	swait.ge [sflag:s14], $0x1400  }
0x68: {  	[sflag:s14] =	ssyncset.done $0x0  }
0x69: {  	[sflag:s14] =	ssyncadd.s32 $0xFFFFEC00  }
0x6a: {  	[tilespmem:s15], [sflag:$0x3] =	stream.linear.gather [hbm4b:s10+s26], $0x1400, $0x38;
	[tilespmem:$0x1E800] =	vst v63  }
0x6b: {  	_ =	swait.ge [sflag:s14], $0x1400  }
0x6c: {  	[sflag:s14] =	ssyncset.done $0x0  }
0x6d: {  	[sflag:s14] =	ssyncadd.s32 $0xFFFFEC00  }
0x6e: {  	[tilespmem:s17], [sflag:$0x1] =	stream.indirect.gather [hbm4b:s4+s16], $0x80, s26, s16, $0xb8;
	[tilespmem:$0x1E800] =	vst v63  }
0x6f: {  	s28 =	simm.s32 $0x80  }
0x70: {  	[tilespmem:s18], [sflag:$0x2] =	stream.indirect.gather [hbm4b:s4+s16], $0x80, s28, s16, $0xb8;
	[tilespmem:$0x1E800] =	vst v63  }
0x71: {  	_ =	swait.ge [sflag:s19], $0x4000  }
0x72: {  	[sflag:s19] =	ssyncset.done $0x0  }
0x73: {  	s29 =	simm.s32 $0x1400;
	[sflag:s19] =	ssyncadd.s32 $0xFFFFC000  }
0x74: {  	[spmem:s1] =	stream.indirect.scatter.add.f32 [tilespmem:s17], [sflag:$0x3], $0x80, s29, s16, $0xb8;
	[tilespmem:$0x1E800] =	vst v63  }
0x75: {  	_ =	swait.ge [sflag:s14], $0x4000  }
0x76: {  	[sflag:s14] =	ssyncset.done $0x0  }
0x77: {  	s30 =	simm.s32 $0x100;
	[sflag:s14] =	ssyncadd.s32 $0xFFFFC000  }
0x78: {  	[tilespmem:s17], [sflag:$0x1] =	stream.indirect.gather [hbm4b:s4+s16], $0x80, s30, s16, $0xb8;
	[tilespmem:$0x1E800] =	vst v63  }
0x79: {  	_ =	swait.ge [sflag:s20], $0x4000  }
0x7a: {  	[sflag:s20] =	ssyncset.done $0x0  }
0x7b: {  	s31 =	simm.s32 $0x1480;
	[sflag:s20] =	ssyncadd.s32 $0xFFFFC000  }
0x7c: {  	[spmem:s1] =	stream.indirect.scatter.add.f32 [tilespmem:s18], [sflag:$0x3], $0x80, s31, s16, $0xb8;
	[tilespmem:$0x1E800] =	vst v63  }
0x7d: {  	_ =	swait.ge [sflag:s14], $0x4000  }
0x7e: {  	s25 =	simm.s32 $0x100;
	s26 =	simm.s32 $0x800;
	[sflag:s14] =	ssyncset.done $0x0  }
.LBB2_4:
0x7f: {  	s28 =	sadd.s32 $0x80, s25  }
0x80: {  	[sflag:s14] =	ssyncadd.s32 $0xFFFFC000;
	s29 =	smov.u32 s26;
	s30 =	sadd.s32 $0x400, s26  }
0x81: {  	[tilespmem:s18], [sflag:$0x2] =	stream.indirect.gather [hbm4b:s4+s16], $0x80, s28, s16, $0xb8;
	[tilespmem:$0x1E800] =	vst v63  }
0x82: {  	p0 =	sne.s32 s26, $0x4800;
	_ =	swait.ge [sflag:s19], $0x4000  }
0x83: {  	[sflag:s19] =	ssyncset.done $0x0  }
0x84: {  	s26 =	sadd.s32 $0x1400, s25;
	[sflag:s19] =	ssyncadd.s32 $0xFFFFC000  }
0x85: {  	[spmem:s1] =	stream.indirect.scatter.add.f32 [tilespmem:s17], [sflag:$0x3], $0x80, s26, s16, $0xb8;
	[tilespmem:$0x1E800] =	vst v63  }
0x86: {  	_ =	swait.ge [sflag:s14], $0x4000  }
0x87: {  	[sflag:s14] =	ssyncset.done $0x0  }
0x88: {  	s26 =	sadd.s32 $0x100, s25;
	[sflag:s14] =	ssyncadd.s32 $0xFFFFC000  }
0x89: {  	[tilespmem:s17], [sflag:$0x1] =	stream.indirect.gather [hbm4b:s4+s16], $0x80, s26, s16, $0xb8;
	[tilespmem:$0x1E800] =	vst v63  }
0x8a: {  	_ =	swait.ge [sflag:s20], $0x4000  }
.Ltmp1:
0x8b: {  	[sflag:s20] =	ssyncset.done $0x0;
	(pc) =	sbr.rel @p0 .LBB2_4-.Ltmp1, $4  }
0x8c: {  	s25 =	sadd.s32 $0x1480, s25;
	[sflag:s20] =	ssyncadd.s32 $0xFFFFC000  }
0x8d: {  	[spmem:s1] =	stream.indirect.scatter.add.f32 [tilespmem:s18], [sflag:$0x3], $0x80, s25, s16, $0xb8;
	[tilespmem:$0x1E800] =	vst v63  }
0x8e: {  	_ =	swait.ge [sflag:s14], $0x4000  }
0x8f: {  	s26 =	smov.u32 s30;
	s25 =	sshra.s32 s29, $0x2;
	[sflag:s14] =	ssyncset.done $0x0  }
0x90: {  	s26 =	sadd.s32 $0x80, s25;
	[sflag:s14] =	ssyncadd.s32 $0xFFFFC000  }
0x91: {  	[tilespmem:s18], [sflag:$0x2] =	stream.indirect.gather [hbm4b:s4+s16], $0x80, s26, s16, $0xb8;
	[tilespmem:$0x1E800] =	vst v63  }
0x92: {  	_ =	swait.ge [sflag:s19], $0x4000  }
0x93: {  	[sflag:s19] =	ssyncset.done $0x0  }
0x94: {  	s29 =	sadd.s32 $0x1400, s25;
	[sflag:s19] =	ssyncadd.s32 $0xFFFFC000  }
0x95: {  	[spmem:s1] =	stream.indirect.scatter.add.f32 [tilespmem:s17], [sflag:$0x3], $0x80, s29, s16, $0xb8;
	[tilespmem:$0x1E800] =	vst v63  }
0x96: {  	_ =	swait.ge [sflag:s14], $0x4000  }
0x97: {  	[sflag:s14] =	ssyncset.done $0x0  }
0x98: {  	s30 =	sadd.s32 $0x100, s25;
	[sflag:s14] =	ssyncadd.s32 $0xFFFFC000  }
0x99: {  	[tilespmem:s17], [sflag:$0x1] =	stream.indirect.gather [hbm4b:s4+s16], $0x80, s30, s16, $0xb8;
	[tilespmem:$0x1E800] =	vst v63  }
0x9a: {  	_ =	swait.ge [sflag:s20], $0x4000  }
0x9b: {  	[sflag:s20] =	ssyncset.done $0x0  }
0x9c: {  	s31 =	sadd.s32 $0x1480, s25;
	[sflag:s20] =	ssyncadd.s32 $0xFFFFC000  }
0x9d: {  	[spmem:s1] =	stream.indirect.scatter.add.f32 [tilespmem:s18], [sflag:$0x3], $0x80, s31, s16, $0xb8;
	[tilespmem:$0x1E800] =	vst v63  }
0x9e: {  	_ =	swait.ge [sflag:s14], $0x4000  }
0x9f: {  	[sflag:s14] =	ssyncset.done $0x0  }
0xa0: {  	[sflag:s14] =	ssyncadd.s32 $0xFFFFC000  }
0xa1: {  	[tilespmem:s18], [sflag:$0x2] =	stream.indirect.gather [hbm4b:s4+s16], $0x80, s21, s16, $0xb8;
	[tilespmem:$0x1E800] =	vst v63  }
0xa2: {  	_ =	swait.ge [sflag:s19], $0x4000  }
0xa3: {  	[sflag:s19] =	ssyncset.done $0x0  }
0xa4: {  	[sflag:s19] =	ssyncadd.s32 $0xFFFFC000  }
0xa5: {  	[spmem:s1] =	stream.indirect.scatter.add.f32 [tilespmem:s17], [sflag:$0x3], $0x80, s22, s16, $0xb8;
	[tilespmem:$0x1E800] =	vst v63  }
0xa6: {  	_ =	swait.ge [sflag:s14], $0x4000  }
0xa7: {  	[sflag:s14] =	ssyncset.done $0x0  }
0xa8: {  	[sflag:s14] =	ssyncadd.s32 $0xFFFFC000  }
0xa9: {  	[tilespmem:s17], [sflag:$0x1] =	stream.indirect.gather [hbm4b:s4+s16], $0x80, s21, s16, $0xb8;
	[tilespmem:$0x1E800] =	vst v63  }
0xaa: {  	_ =	swait.ge [sflag:s20], $0x4000  }
0xab: {  	[sflag:s20] =	ssyncset.done $0x0  }
0xac: {  	[sflag:s20] =	ssyncadd.s32 $0xFFFFC000  }
0xad: {  	[spmem:s1] =	stream.indirect.scatter.add.f32 [tilespmem:s18], [sflag:$0x3], $0x80, s23, s16, $0xb8;
	[tilespmem:$0x1E800] =	vst v63  }
0xae: {  	_ =	swait.ge [sflag:s14], $0x4000  }
0xaf: {  	[sflag:s14] =	ssyncset.done $0x0  }
0xb0: {  	[sflag:s14] =	ssyncadd.s32 $0xFFFFC000  }
0xb1: {  	_ =	swait.ge [sflag:s19], $0x4000  }
0xb2: {  	s24 =	sadd.s32 $0x1, s24;
	[sflag:s19] =	ssyncset.done $0x0  }
0xb3: {  	p0 =	sne.s32 s24, s12;
	[sflag:s19] =	ssyncadd.s32 $0xFFFFC000  }
.Ltmp2:
0xb4: {  	[bflag:$0x0] =	sbarrier.arrive $0xFFFF;
	(pc) =	sbr.rel @p0 .LBB2_1-.Ltmp2, $4  }
0xb5: {  	[hbm:s11], [sflag:s6] =	dma.local [spmem:s13], $0x2800  }
0xb6: {  	_ =	swait.ge [sflag:s14], $0x2800  }
0xb7: {  	[sflag:s14] =	ssyncset.done $0x0  }
0xb8: {  	[sflag:s14] =	ssyncadd.s32 $0xFFFFD800  }
0xb9: {  	_ =	sfence.sel $0x180000  }
0xba: {  	[bflag:$0x0] =	sbarrier.arrive $0xFFFF  }
0xbb: {  	p0 =	sne.s32 s2, $0x0;
	_ =	strace $0x9000004A  }
0xbc: {  	s0 =	sadd.s32 @!p0 $0x100000, s0;
	[bflag:$0x2] =	sbarrier.arrive $0xFFFF  }
0xbd: {  	[sflag:s0] =	ssyncadd.tile.s32 @!p0 $0x1;
	_ =	shalt  }
.Lfunc_end2:
_tile_overlayer_lowered:
.L_overlay_start_2:
0xbe: {  	(tag) =	ssettag $0x2  }
0xbf: {  	s0 =	rddreg [dreg:$0x0];
	s2 =	stileid.u32  }
0xc0: {  	s1 =	rddreg [dreg:$0x1];
	p0 =	sne.s32 s2, $0x0  }
0xc1: {  	s3 =	rddreg [dreg:$0x2];
	[bflag:$0x3] =	sbarrier.arrive $0xFFFF;
	s2 =	simm.s32 @!p0 $0x1C03  }
0xc2: {  	[timem:s3], [sflag:s2] =	dma.local @!p0 [hbm:s0], s1  }
0xc3: {  	s0 =	simm.s32 @!p0 $0x3  }
0xc4: {  	_ =	swait.ge @!p0 [sflag:s0], s1  }
0xc5: {  	s1 =	ssub.s32 @!p0 $0x0, s1;
	[sflag:s0] =	ssyncset.done @!p0 $0x0  }
0xc6: {  	[sflag:s0] =	ssyncadd.s32 @!p0 s1  }
0xc7: {  	[bflag:$0x3] =	sbarrier.arrive $0xFFFF  }
0xc8: {  	_ =	shalt  }

// kernel: kernel.13.cloned.1.call-start
scs
__scs_entry_jumppad:
0x0: {  	(pc) =	sbr.rel $0x88, $3  }
0x1: {  	(tag) =	ssettag $0x0;
	lr =	simm.s32 $0x1  }
0x2: {  	[smem:$0x3F99] =	sst lr;
	_ =	strace $0xD0000000  }
0x3: {  	_ = 	snop  }
0x4: {  	_ = 	snop  }
0x5: {  	_ = 	snop  }
0x6: {  	_ = 	snop  }
0x7: {  	_ = 	snop  }
__scs_overlays_trampoline_lowered:
0x8: {  	[smem:$0x3FA8] =	sst s0  }
0x9: {  	[smem:$0x3FA9] =	sst s1  }
0xa: {  	[smem:$0x3FAA] =	sst s2  }
0xb: {  	[smem:$0x3FAB] =	sst s3  }
0xc: {  	[smem:$0x3FAC] =	sst s4  }
0xd: {  	[smem:$0x3FAD] =	sst s5  }
0xe: {  	[smem:$0x3FAE] =	sst s6  }
0xf: {  	[smem:$0x3FAF] =	sst s7  }
0x10: {  	[smem:$0x3FB0] =	sst s8  }
0x11: {  	[smem:$0x3FB1] =	sst s9;
	s0 =	simm.s32 @!p0 $0x0  }
0x12: {  	s1 =	sld [smem:$0x3F97];
	s0 =	simm.s32 @p0 $0x1  }
0x13: {  	[smem:$0x3FB2] =	sst s0;
	s0 =	simm.s32 @!p1 $0x0  }
0x14: {  	s2 =	sld [smem:$0x3F96];
	s0 =	simm.s32 @p1 $0x1  }
0x15: {  	[smem:$0x3FB3] =	sst s0;
	s0 =	simm.s32 @!p2 $0x0  }
0x16: {  	s3 =	sld [smem:$0x3FDB];
	s0 =	simm.s32 @p2 $0x1  }
0x17: {  	s4 =	simm.s32 $0x1BF5;
	[smem:$0x3FB5] =	sst s0  }
0x18: {  	s0 =	sld [smem:$0x3F98];
	_ =	swait.ge [sflag:s4], $0x0  }
0x19: {  	s7 =	sld [smem:$0x3F99]  }
0x1a: {  	s8 =	sadd.s32 $0xFFFFE003, lr  }
0x1b: {  	s9 =	sadd.s32 $0xFFFFFEF7, lr;
	s5 =	simm.s32 $0xFFFFFFFF;
	p2 =	slt.u32 s8, $0xFFFFF086  }
0x1c: {  	p1 =	slt.u32 s9, $0xF7A;
	s5 =	simm.s32 @!p2 $0x0  }
0x1d: {  	s5 =	simm.s32 @p1 $0x1;
	p0 =	seq.s32 s7, s2  }
0x1e: {  	s7 =	smul.u32 @!p0 $0xF7A, s2;
	p2 =	seq.s32 @!p0 s5, $0x0  }
0x1f: {  	s9 =	smul.u32 $0xF7A, s1;
	s8 =	simm.s32 @!p0 $0x1BF5;
	p2 =	por !p2, p0  }
0x20: {  	[sflag:s8] =	ssyncset.s32 @!p0 $0xFFFFF086;
	s6 =	sadd.s32 @!p0 s3, s7;
	s7 =	simm.s32 @!p0 $0x108  }
0x21: {  	s3 =	sadd.s32 s3, s9;
	s6 =	sadd.s32 @!p0 $0x88, s6;
	s7 =	simm.s32 @p2 $0x1082  }
0x22: {  	[simem:s7], [sflag:s8] =	dma.local @!p0 [hbm:s6], $0xF7A  }
0x23: {  	s9 =	sor.u32 $0xD0000000, s2;
	s6 =	simm.s32 $0x108;
	_ =	swait.ge @!p0 [sflag:s8], $0x0  }
0x24: {  	s3 =	sadd.s32 $0x88, s3;
	s6 =	simm.s32 @!p1 $0x1082;
	[sflag:s4] =	ssyncset.s32 $0xFFFFF086  }
0x25: {  	[simem:s6], [sflag:s4] =	dma.local [hbm:s3], $0xF7A  }
0x26: {  	[smem:$0x3F99] =	sst s1;
	(tag) =	ssettag s2;
	_ =	strace s9  }
0x27: {  	s1 =	sld [smem:$0x3FA9]  }
0x28: {  	s2 =	sld [smem:$0x3FAA]  }
0x29: {  	s4 =	sld [smem:$0x3FAC]  }
0x2a: {  	p0 =	seq.s32 s5, $0x0;
	s5 =	sld [smem:$0x3FAD]  }
0x2b: {  	s6 =	sld [smem:$0x3FAE]  }
0x2c: {  	s7 =	sld [smem:$0x3FAF]  }
0x2d: {  	s3 =	simm.s32 $0x108;
	s8 =	sld [smem:$0x3FB0]  }
0x2e: {  	s3 =	simm.s32 @!p0 $0x1082;
	s9 =	sld [smem:$0x3FB1]  }
0x2f: {  	lr =	sadd.s32 s0, s3;
	s0 =	sld [smem:$0x3FA8]  }
0x30: {  	s3 =	sld [smem:$0x3FAB]  }
0x31: {  	[smem:$0x3FB4] =	sst s10  }
0x32: {  	s10 =	sld [smem:$0x3FB2];
	_ =	sdelay $0x3  }
0x33: {  	p0 =	seq.s32 s10, $0x1;
	s10 =	sld [smem:$0x3FB4];
	_ =	sdelay $0x3  }
0x34: {  	[smem:$0x3FB4] =	sst s10  }
0x35: {  	s10 =	sld [smem:$0x3FB3];
	_ =	sdelay $0x3  }
0x36: {  	p1 =	seq.s32 s10, $0x1;
	s10 =	sld [smem:$0x3FB4];
	_ =	sdelay $0x3  }
0x37: {  	[smem:$0x3FB4] =	sst s10  }
0x38: {  	s10 =	sld [smem:$0x3FB5]  }
0x39: {  	_ = 	snop;
	(pc) =	sbr.ind lr, $3  }
0x3a: {  	_ = 	snop  }
0x3b: {  	_ = 	snop  }
0x3c: {  	p2 =	seq.s32 s10, $0x1;
	s10 =	sld [smem:$0x3FB4]  }
0x3d: {  	_ =	shalt  }
0x3e: {  	_ =	shalt  }
0x3f: {  	_ =	shalt  }
0x40: {  	_ =	shalt  }
0x41: {  	_ =	shalt  }
0x42: {  	_ =	shalt  }
0x43: {  	_ =	shalt  }
0x44: {  	_ =	shalt  }
0x45: {  	_ =	shalt  }
0x46: {  	_ =	shalt  }
0x47: {  	_ =	shalt  }
0x48: {  	_ =	shalt  }
0x49: {  	_ =	shalt  }
0x4a: {  	_ =	shalt  }
0x4b: {  	_ =	shalt  }
0x4c: {  	_ =	shalt  }
0x4d: {  	_ =	shalt  }
0x4e: {  	_ =	shalt  }
0x4f: {  	_ =	shalt  }
0x50: {  	_ =	shalt  }
0x51: {  	_ =	shalt  }
0x52: {  	_ =	shalt  }
0x53: {  	_ =	shalt  }
0x54: {  	_ =	shalt  }
0x55: {  	_ =	shalt  }
0x56: {  	_ =	shalt  }
0x57: {  	_ =	shalt  }
0x58: {  	_ =	shalt  }
0x59: {  	_ =	shalt  }
0x5a: {  	_ =	shalt  }
0x5b: {  	_ =	shalt  }
0x5c: {  	_ =	shalt  }
0x5d: {  	_ =	shalt  }
0x5e: {  	_ =	shalt  }
0x5f: {  	_ =	shalt  }
0x60: {  	_ =	shalt  }
0x61: {  	_ =	shalt  }
0x62: {  	_ =	shalt  }
0x63: {  	_ =	shalt  }
0x64: {  	_ =	shalt  }
0x65: {  	_ =	shalt  }
0x66: {  	_ =	shalt  }
0x67: {  	_ =	shalt  }
0x68: {  	_ =	shalt  }
0x69: {  	_ =	shalt  }
0x6a: {  	_ =	shalt  }
0x6b: {  	_ =	shalt  }
0x6c: {  	_ =	shalt  }
0x6d: {  	_ =	shalt  }
0x6e: {  	_ =	shalt  }
0x6f: {  	_ =	shalt  }
0x70: {  	_ =	shalt  }
0x71: {  	_ =	shalt  }
0x72: {  	_ =	shalt  }
0x73: {  	_ =	shalt  }
0x74: {  	_ =	shalt  }
0x75: {  	_ =	shalt  }
0x76: {  	_ =	shalt  }
0x77: {  	_ =	shalt  }
0x78: {  	_ =	shalt  }
0x79: {  	_ =	shalt  }
0x7a: {  	_ =	shalt  }
0x7b: {  	_ =	shalt  }
0x7c: {  	_ =	shalt  }
0x7d: {  	_ =	shalt  }
0x7e: {  	_ =	shalt  }
0x7f: {  	_ =	shalt  }
0x80: {  	_ =	shalt  }
0x81: {  	_ =	shalt  }
0x82: {  	_ =	shalt  }
0x83: {  	_ =	shalt  }
0x84: {  	_ =	shalt  }
0x85: {  	_ =	shalt  }
0x86: {  	_ =	shalt  }
0x87: {  	_ =	shalt  }
.Lfunc_end0:
.L_simem_size_0:
called_computation.2_lowered:
.L_overlay_start_0:
0x88: {  	s2 =	sld [smem:$0x3FD9]  }
0x89: {  	s3 =	sld [smem:$0x3FFE];
	_ =	sdelay $0x1  }
0x8a: {  	s1 =	srdreg.scid  }
0x8b: {  	s0 =	sand.u32 $0x1, s1  }
0x8c: {  	s17 =	sshll.u32 s0, $0xA;
	s2 =	sadd.s32 s3, s2  }
0x8d: {  	s2 =	sadd.s32 s2, s17  }
0x8e: {  	[smem:$0x3FC0] =	sst s2  }
0x8f: {  	_ = 	snop  }
0x90: {  	(tm) =	ssettm $0x1  }
0x91: {  	s18 =	sld [smem:$0x3FFB];
	_ =	sdelay $0x3  }
0x92: {  	_ =	strace s18  }
0x93: {  	s2 =	sld [smem:$0x3FFC];
	_ =	sdelay $0x3  }
0x94: {  	_ =	strace s2  }
0x95: {  	s2 =	sld [smem:$0x3FFD];
	_ =	sdelay $0x3  }
0x96: {  	_ =	strace s2  }
0x97: {  	_ =	strace $0x8FFFFFFF  }
0x98: {  	s19 =	sld [smem:$0x3FDB];
	_ =	sdelay $0x1  }
0x99: {  	s20 =	simm.s32 $_scs_section_size  }
0x9a: {  	s4 =	simm.s32 $_size__tile_overlayer_lowered;
	s5 =	simm.s32 $_tile_overlayer_lowered  }
0x9b: {  	s6 =	simm.s32 $0x1BFF;
	s21 =	sshll.u32 s5, $0x1;
	s3 =	sadd.s32 s20, s19  }
0x9c: {  	s22 =	simm.s32 $0x0;
	s4 =	sshll.u32 s4, $0x1;
	s5 =	sadd.s32 s21, s3  }
0x9d: {  	[timem:s22], [sflag:s6] =	dma.local [hbm:s5], s4  }
0x9e: {  	_ =	swait.ge [sflag:s6], s4  }
0x9f: {  	s4 =	ssub.s32 $0x0, s4;
	[sflag:s6] =	ssyncset.done $0x0  }
0xa0: {  	[sflag:s6] =	ssyncadd.s32 s4;
	_ =	sdelay $0x1  }
0xa1: {  	s23 =	simm.s32 $0x1B8B  }
0xa2: {  	_ =	swait.ge [sflag:s23], $0x1  }
0xa3: {  	[sflag:s23] =	ssyncset.done $0x0  }
0xa4: {  	[sflag:s23] =	ssyncadd.s32 $0xFFFFFFFF  }
0xa5: {  	s4 =	sld [smem:$0x0]  }
0xa6: {  	s5 =	sand.u32 $0xFFFFFFFE, s1  }
0xa7: {  	p0 =	sne.s32 s1, s5  }
0xa8: {  	s5 =	sshll.u32 @p0 s5, $0xE  }
0xa9: {  	s5 =	sadd.s32 @p0 $0x11B8D, s5;
	s6 =	sshll.u32 @p0 s4, $0x11  }
0xaa: {  	s5 =	sor.u32 @p0 s6, s5  }
0xab: {  	[sflag:s5] =	ssyncadd.remote.s32 @p0 $0x1;
	_ =	sdelay $0x1  }
0xac: {  	s5 =	simm.s32 @p0 $0x1B8D  }
0xad: {  	_ =	swait.eq @p0 [sflag:s5], $0x1  }
0xae: {  	[sflag:s5] =	ssyncadd.s32 @p0 $0xFFFFFFFF  }
0xaf: {  	s6 =	sshll.u32 @!p0 s1, $0xE  }
0xb0: {  	s6 =	sor.u32 @!p0 $0x4000, s6;
	s5 =	simm.s32 @!p0 $0x1B8D  }
0xb1: {  	s4 =	sshll.u32 @!p0 s4, $0x11;
	s6 =	sadd.s32 @!p0 $0x11B8D, s6;
	_ =	swait.eq @!p0 [sflag:s5], $0x1  }
0xb2: {  	s4 =	sor.u32 @!p0 s4, s6;
	[sflag:s5] =	ssyncadd.s32 @!p0 $0xFFFFFFFF  }
0xb3: {  	s25 =	simm.s32 $0x1B8E;
	s24 =	sld [smem:$0x3FFE];
	[sflag:s4] =	ssyncadd.remote.s32 @!p0 $0x1  }
0xb4: {  	s26 =	simm.s32 $execute0_lowered;
	[smem:$0x3FD2] =	sst s25  }
0xb5: {  	s5 =	sshll.u32 s26, $0x1;
	_ =	strace $0x8000004C;
	[dreg:$0x1] =	wrdreg $0xFFFFFFFF  }
0xb6: {  	s28 =	simm.s32 $_size_execute0_lowered;
	s3 =	sadd.s32 s3, s5;
	[dreg:$0x0] =	wrdreg $0x0  }
0xb7: {  	s5 =	sshll.u32 s28, $0x1;
	[dreg:$0x2] =	wrdreg s3  }
0xb8: {  	[dreg:$0x3] =	wrdreg s5  }
0xb9: {  	[dreg:$0x4] =	wrdreg $0xC0  }
0xba: {  	_ =	task [dreg:s22], $0x5FFFF  }
0xbb: {  	[dreg:$0x1] =	wrdreg $0xFFFFFFFF  }
0xbc: {  	[dreg:$0x0] =	wrdreg $0x60  }
0xbd: {  	[dreg:$0x2] =	wrdreg s24  }
0xbe: {  	[dreg:$0x3] =	wrdreg $0xA  }
0xbf: {  	_ =	task.clear_ibuf [dreg:s22], $0x4FFFF;
	_ =	strace $0x9000004C  }
0xc0: {  	s29 =	simm.s32 $0xA;
	_ =	strace $0x8000004E  }
0xc1: {  	_ =	swait.ge [sflag:s29], $0x1  }
0xc2: {  	[sflag:s29] =	ssyncadd.s32 $0xFFFFFFFF  }
0xc3: {  	_ =	strace $0x9000004E  }
0xc4: {  	_ =	sfence  }
0xc5: {  	s30 =	sld [smem:$0x0];
	_ =	sdelay $0x2  }
0xc6: {  	s31 =	sshll.u32 s1, $0xD;
	s1 =	sshrl.u32 s1, $0x2  }
0xc7: {  	s4 =	sand.u32 $0x4000, s31;
	s1 =	sadd.s32 s1, s30  }
0xc8: {  	s0 =	sor.u32 s4, s0;
	s1 =	sshll.u32 s1, $0x11  }
0xc9: {  	s0 =	sor.u32 s1, s0  }
0xca: {  	s0 =	sadd.s32 $0x8F2B, s0  }
0xcb: {  	[sflag:s0] =	ssyncadd.remote.s32 $0x1  }
0xcc: {  	_ =	sfence.sel $0xFFFF  }
0xcd: {  	[dreg:$0x0] =	wrdreg $0xFFFFFFFF;
	(pc) =	sbr.abs _section_cstart, $3  }
0xce: {  	[dreg:$0x1] =	wrdreg $0xFFFFFFFF  }
0xcf: {  	_ =	task.clear_ibuf [dreg:s22], $0x2FFFF;
	_ =	strace $0x9FFFFFFF  }
0xd0: {  	(tm) =	ssettm $0x7FFFFFFF  }
0xd1: {  	_ =	shalt  }
tec
execute0_lowered:
.L_overlay_start_1:
0x0: {  	(tag) =	ssettag $0x1  }
0x1: {  	s0 =	srdreg.scid;
	s5 =	rddreg [dreg:$0x0]  }
0x2: {  	s2 =	simm.s32 $0x0;
	s10 =	simm.s32 $0x1;
	s11 =	simm.s32 $0x5000  }
0x3: {  	s12 =	simm.s32 $0x2800;
	s13 =	simm.s32 $0x80;
	s4 =	sand.u32 $0x1, s0  }
0x4: {  	s14 =	simm.s32 $0x400;
	s0 =	stileid.u32;
	s1 =	sshll.u32 s4, $0x4  }
0x5: {  	s15 =	simm.s32 $0x0;
	[smem:$0x7FF] =	sst s2;
	s3 =	sor.u32 s0, s1  }
0x6: {  	s7 =	sshll.u32 s0, $0x7;
	s30 =	ssub.s32 $0x2, s4;
	s6 =	sshrl.u32 s3, $0x3  }
0x7: {  	s4 =	sadd.s32 $0xC400, s5;
	s1 =	rddreg [dreg:$0x1];
	s6 =	smul.u32 $0x14000, s6  }
0x8: {  	s7 =	sand.u32 $0x380, s7;
	_ =	strace $0x8000004D;
	s8 =	smul.u32 $0x500, s3  }
0x9: {  	s31 =	sshrl.u32 s30, $0x1;
	s3 =	sadd.s32 $0xF200, s5;
	s6 =	sor.u32 s7, s6  }
0xa: {  	s29 =	sadd.s32 s8, s5;
	s8 =	ssub.s32 s30, s31;
	s6 =	sshrl.u32 s6, $0x3  }
0xb: {  	s8 =	smax.u32 s8, $0x1;
	s9 =	sadd.s32 s6, s5;
	s5 =	sadd.s32 $0x16A00, s29  }
0xc: {  	s6 =	sadd.s32 $0x2400, s29;
	s7 =	sadd.s32 $0x98A00, s9;
	s9 =	simm.s32 $0x7800  }
.LBB2_1:
0xd: {  	[tilespmem:s9], [sflag:$0x1] =	stream.linear.gather [hbm4b:s4+s2], $0x2800, $0x38;
	[tilespmem:$0xA000] =	vst v63  }
0xe: {  	_ =	swait.ge [sflag:s10], $0x2800  }
0xf: {  	[sflag:s10] =	ssyncset.done $0x0  }
0x10: {  	[sflag:s10] =	ssyncadd.s32 $0xFFFFD800  }
0x11: {  	[tilespmem:s11], [sflag:$0x1] =	stream.linear.gather [hbm4b:s3+s2], $0x2800, $0x38;
	[tilespmem:$0xA000] =	vst v63  }
0x12: {  	_ =	swait.ge [sflag:s10], $0x2800  }
0x13: {  	[sflag:s10] =	ssyncset.done $0x0  }
0x14: {  	[sflag:s10] =	ssyncadd.s32 $0xFFFFD800  }
0x15: {  	[tilespmem:s2], [sflag:$0x1] =	stream.linear.gather [hbm4b:s5+s2], $0x2800, $0x38;
	[tilespmem:$0xA000] =	vst v63  }
0x16: {  	_ =	swait.ge [sflag:s10], $0x2800  }
0x17: {  	[sflag:s10] =	ssyncset.done $0x0  }
0x18: {  	[sflag:s10] =	ssyncadd.s32 $0xFFFFD800  }
0x19: {  	[tilespmem:s12], [sflag:$0x1] =	stream.linear.gather [hbm4b:s6+s2], $0x2800, $0x38;
	[tilespmem:$0xA000] =	vst v63  }
0x1a: {  	_ =	swait.ge [sflag:s10], $0x2800  }
0x1b: {  	[sflag:s10] =	ssyncset.done $0x0  }
0x1c: {  	s16 =	simm.s32 $0x0;
	[sflag:s10] =	ssyncadd.s32 $0xFFFFD800  }
.LBB2_2:
0x1d: {  	s17 =	sshra.s32 s16, $0x2  }
0x1e: {  	v0 =	vld [tilespmem:s17+$0x2800];
	_ =	sdelay $0x4  }
0x1f: {  	v1 =	vld [tilespmem:s17+$0x0];
	_ =	sdelay $0x2  }
0x20: {  	v0 =	vld.idx.msk [tilespmem:v0+s11+$0x0], $0xffff;
	_ =	sdelay $0x4  }
0x21: {  	[tilespmem:v1+s9+$0x0] =	vst.idx.add.f32.msk $0xffff, v0  }
0x22: {  	v0 =	vld [tilespmem:s17+$0x2810];
	_ =	sdelay $0x4  }
0x23: {  	v1 =	vld [tilespmem:s17+$0x10];
	_ =	sdelay $0x2  }
0x24: {  	v0 =	vld.idx.msk [tilespmem:v0+s11+$0x0], $0xffff;
	_ =	sdelay $0x4  }
0x25: {  	[tilespmem:v1+s9+$0x0] =	vst.idx.add.f32.msk $0xffff, v0  }
0x26: {  	v0 =	vld [tilespmem:s17+$0x2820];
	_ =	sdelay $0x4  }
0x27: {  	v1 =	vld [tilespmem:s17+$0x20];
	_ =	sdelay $0x2  }
0x28: {  	v0 =	vld.idx.msk [tilespmem:v0+s11+$0x0], $0xffff;
	_ =	sdelay $0x4  }
0x29: {  	[tilespmem:v1+s9+$0x0] =	vst.idx.add.f32.msk $0xffff, v0  }
0x2a: {  	v0 =	vld [tilespmem:s17+$0x2830];
	_ =	sdelay $0x4  }
0x2b: {  	v1 =	vld [tilespmem:s17+$0x30];
	_ =	sdelay $0x2  }
0x2c: {  	v0 =	vld.idx.msk [tilespmem:v0+s11+$0x0], $0xffff;
	_ =	sdelay $0x4  }
0x2d: {  	[tilespmem:v1+s9+$0x0] =	vst.idx.add.f32.msk $0xffff, v0  }
0x2e: {  	v0 =	vld [tilespmem:s17+$0x2840];
	_ =	sdelay $0x4  }
0x2f: {  	v1 =	vld [tilespmem:s17+$0x40];
	_ =	sdelay $0x2  }
0x30: {  	v0 =	vld.idx.msk [tilespmem:v0+s11+$0x0], $0xffff;
	_ =	sdelay $0x4  }
0x31: {  	[tilespmem:v1+s9+$0x0] =	vst.idx.add.f32.msk $0xffff, v0  }
0x32: {  	v0 =	vld [tilespmem:s17+$0x2850];
	_ =	sdelay $0x4  }
0x33: {  	v1 =	vld [tilespmem:s17+$0x50];
	_ =	sdelay $0x2  }
0x34: {  	v0 =	vld.idx.msk [tilespmem:v0+s11+$0x0], $0xffff;
	_ =	sdelay $0x4  }
0x35: {  	[tilespmem:v1+s9+$0x0] =	vst.idx.add.f32.msk $0xffff, v0  }
0x36: {  	v0 =	vld [tilespmem:s17+$0x2860];
	_ =	sdelay $0x4  }
0x37: {  	v1 =	vld [tilespmem:s17+$0x60];
	_ =	sdelay $0x2  }
0x38: {  	v0 =	vld.idx.msk [tilespmem:v0+s11+$0x0], $0xffff;
	_ =	sdelay $0x4  }
0x39: {  	[tilespmem:v1+s9+$0x0] =	vst.idx.add.f32.msk $0xffff, v0  }
0x3a: {  	v0 =	vld [tilespmem:s17+$0x2870];
	_ =	sdelay $0x4  }
0x3b: {  	v1 =	vld [tilespmem:s17+$0x70];
	_ =	sdelay $0x2  }
0x3c: {  	p0 =	sne.s32 s16, $0x9E00;
	v0 =	vld.idx.msk [tilespmem:v0+s11+$0x0], $0xffff  }
.Ltmp0:
0x3d: {  	_ = 	snop;
	(pc) =	sbr.rel @p0 .LBB2_2-.Ltmp0, $2  }
0x3e: {  	_ =	sdelay $0x2  }
0x3f: {  	s16 =	sadd.s32 $0x200, s16;
	[tilespmem:v1+s9+$0x0] =	vst.idx.add.f32.msk $0xffff, v0  }
0x40: {  	s15 =	sadd.s32 $0x1, s15  }
0x41: {  	p0 =	sne.s32 s15, s8  }
.Ltmp1:
0x42: {  	_ = 	snop;
	(pc) =	sbr.rel @p0 .LBB2_1-.Ltmp1, $4  }
0x43: {  	[hbm4b:s7+s13] =	stream.strided.scatter [tilespmem:s9], [sflag:$0x1], $0x2800, s14, s13, $0x38;
	[tilespmem:$0xA000] =	vst v63  }
0x44: {  	_ =	swait.ge [sflag:s10], $0x2800  }
0x45: {  	[sflag:s10] =	ssyncset.done $0x0  }
0x46: {  	[sflag:s10] =	ssyncadd.s32 $0xFFFFD800  }
0x47: {  	_ =	sfence.sel $0x180000  }
0x48: {  	[bflag:$0x0] =	sbarrier.arrive $0xFFFF  }
0x49: {  	p0 =	sne.s32 s0, $0x0;
	_ =	strace $0x9000004D  }
0x4a: {  	s0 =	sadd.s32 @!p0 $0x100000, s1;
	[bflag:$0x2] =	sbarrier.arrive $0xFFFF  }
0x4b: {  	[sflag:s0] =	ssyncadd.tile.s32 @!p0 $0x1;
	_ =	shalt  }
.Lfunc_end2:
_tile_overlayer_lowered:
.L_overlay_start_2:
0x4c: {  	(tag) =	ssettag $0x2  }
0x4d: {  	s0 =	rddreg [dreg:$0x0];
	s2 =	stileid.u32  }
0x4e: {  	s1 =	rddreg [dreg:$0x1];
	p0 =	sne.s32 s2, $0x0  }
0x4f: {  	s3 =	rddreg [dreg:$0x2];
	[bflag:$0x3] =	sbarrier.arrive $0xFFFF;
	s2 =	simm.s32 @!p0 $0x1C01  }
0x50: {  	[timem:s3], [sflag:s2] =	dma.local @!p0 [hbm:s0], s1  }
0x51: {  	s0 =	simm.s32 @!p0 $0x1  }
0x52: {  	_ =	swait.ge @!p0 [sflag:s0], s1  }
0x53: {  	s1 =	ssub.s32 @!p0 $0x0, s1;
	[sflag:s0] =	ssyncset.done @!p0 $0x0  }
0x54: {  	[sflag:s0] =	ssyncadd.s32 @!p0 s1  }
0x55: {  	[bflag:$0x3] =	sbarrier.arrive $0xFFFF  }
0x56: {  	_ =	shalt  }

// kernel: kernel.7.cloned.1.call-start
scs
__scs_entry_jumppad:
0x0: {  	(pc) =	sbr.rel $0x88, $3  }
0x1: {  	(tag) =	ssettag $0x0;
	lr =	simm.s32 $0x1  }
0x2: {  	[smem:$0x3F99] =	sst lr;
	_ =	strace $0xD0000000  }
0x3: {  	_ = 	snop  }
0x4: {  	_ = 	snop  }
0x5: {  	_ = 	snop  }
0x6: {  	_ = 	snop  }
0x7: {  	_ = 	snop  }
__scs_overlays_trampoline_lowered:
0x8: {  	[smem:$0x3FA8] =	sst s0  }
0x9: {  	[smem:$0x3FA9] =	sst s1  }
0xa: {  	[smem:$0x3FAA] =	sst s2  }
0xb: {  	[smem:$0x3FAB] =	sst s3  }
0xc: {  	[smem:$0x3FAC] =	sst s4  }
0xd: {  	[smem:$0x3FAD] =	sst s5  }
0xe: {  	[smem:$0x3FAE] =	sst s6  }
0xf: {  	[smem:$0x3FAF] =	sst s7  }
0x10: {  	[smem:$0x3FB0] =	sst s8  }
0x11: {  	[smem:$0x3FB1] =	sst s9;
	s0 =	simm.s32 @!p0 $0x0  }
0x12: {  	s1 =	sld [smem:$0x3F97];
	s0 =	simm.s32 @p0 $0x1  }
0x13: {  	[smem:$0x3FB2] =	sst s0;
	s0 =	simm.s32 @!p1 $0x0  }
0x14: {  	s2 =	sld [smem:$0x3F96];
	s0 =	simm.s32 @p1 $0x1  }
0x15: {  	[smem:$0x3FB3] =	sst s0;
	s0 =	simm.s32 @!p2 $0x0  }
0x16: {  	s3 =	sld [smem:$0x3FDB];
	s0 =	simm.s32 @p2 $0x1  }
0x17: {  	s4 =	simm.s32 $0x1BF5;
	[smem:$0x3FB5] =	sst s0  }
0x18: {  	s0 =	sld [smem:$0x3F98];
	_ =	swait.ge [sflag:s4], $0x0  }
0x19: {  	s7 =	sld [smem:$0x3F99]  }
0x1a: {  	s8 =	sadd.s32 $0xFFFFE003, lr  }
0x1b: {  	s9 =	sadd.s32 $0xFFFFFEF7, lr;
	s5 =	simm.s32 $0xFFFFFFFF;
	p2 =	slt.u32 s8, $0xFFFFF086  }
0x1c: {  	p1 =	slt.u32 s9, $0xF7A;
	s5 =	simm.s32 @!p2 $0x0  }
0x1d: {  	s5 =	simm.s32 @p1 $0x1;
	p0 =	seq.s32 s7, s2  }
0x1e: {  	s7 =	smul.u32 @!p0 $0xF7A, s2;
	p2 =	seq.s32 @!p0 s5, $0x0  }
0x1f: {  	s9 =	smul.u32 $0xF7A, s1;
	s8 =	simm.s32 @!p0 $0x1BF5;
	p2 =	por !p2, p0  }
0x20: {  	[sflag:s8] =	ssyncset.s32 @!p0 $0xFFFFF086;
	s6 =	sadd.s32 @!p0 s3, s7;
	s7 =	simm.s32 @!p0 $0x108  }
0x21: {  	s3 =	sadd.s32 s3, s9;
	s6 =	sadd.s32 @!p0 $0x88, s6;
	s7 =	simm.s32 @p2 $0x1082  }
0x22: {  	[simem:s7], [sflag:s8] =	dma.local @!p0 [hbm:s6], $0xF7A  }
0x23: {  	s9 =	sor.u32 $0xD0000000, s2;
	s6 =	simm.s32 $0x108;
	_ =	swait.ge @!p0 [sflag:s8], $0x0  }
0x24: {  	s3 =	sadd.s32 $0x88, s3;
	s6 =	simm.s32 @!p1 $0x1082;
	[sflag:s4] =	ssyncset.s32 $0xFFFFF086  }
0x25: {  	[simem:s6], [sflag:s4] =	dma.local [hbm:s3], $0xF7A  }
0x26: {  	[smem:$0x3F99] =	sst s1;
	(tag) =	ssettag s2;
	_ =	strace s9  }
0x27: {  	s1 =	sld [smem:$0x3FA9]  }
0x28: {  	s2 =	sld [smem:$0x3FAA]  }
0x29: {  	s4 =	sld [smem:$0x3FAC]  }
0x2a: {  	p0 =	seq.s32 s5, $0x0;
	s5 =	sld [smem:$0x3FAD]  }
0x2b: {  	s6 =	sld [smem:$0x3FAE]  }
0x2c: {  	s7 =	sld [smem:$0x3FAF]  }
0x2d: {  	s3 =	simm.s32 $0x108;
	s8 =	sld [smem:$0x3FB0]  }
0x2e: {  	s3 =	simm.s32 @!p0 $0x1082;
	s9 =	sld [smem:$0x3FB1]  }
0x2f: {  	lr =	sadd.s32 s0, s3;
	s0 =	sld [smem:$0x3FA8]  }
0x30: {  	s3 =	sld [smem:$0x3FAB]  }
0x31: {  	[smem:$0x3FB4] =	sst s10  }
0x32: {  	s10 =	sld [smem:$0x3FB2];
	_ =	sdelay $0x3  }
0x33: {  	p0 =	seq.s32 s10, $0x1;
	s10 =	sld [smem:$0x3FB4];
	_ =	sdelay $0x3  }
0x34: {  	[smem:$0x3FB4] =	sst s10  }
0x35: {  	s10 =	sld [smem:$0x3FB3];
	_ =	sdelay $0x3  }
0x36: {  	p1 =	seq.s32 s10, $0x1;
	s10 =	sld [smem:$0x3FB4];
	_ =	sdelay $0x3  }
0x37: {  	[smem:$0x3FB4] =	sst s10  }
0x38: {  	s10 =	sld [smem:$0x3FB5]  }
0x39: {  	_ = 	snop;
	(pc) =	sbr.ind lr, $3  }
0x3a: {  	_ = 	snop  }
0x3b: {  	_ = 	snop  }
0x3c: {  	p2 =	seq.s32 s10, $0x1;
	s10 =	sld [smem:$0x3FB4]  }
0x3d: {  	_ =	shalt  }
0x3e: {  	_ =	shalt  }
0x3f: {  	_ =	shalt  }
0x40: {  	_ =	shalt  }
0x41: {  	_ =	shalt  }
0x42: {  	_ =	shalt  }
0x43: {  	_ =	shalt  }
0x44: {  	_ =	shalt  }
0x45: {  	_ =	shalt  }
0x46: {  	_ =	shalt  }
0x47: {  	_ =	shalt  }
0x48: {  	_ =	shalt  }
0x49: {  	_ =	shalt  }
0x4a: {  	_ =	shalt  }
0x4b: {  	_ =	shalt  }
0x4c: {  	_ =	shalt  }
0x4d: {  	_ =	shalt  }
0x4e: {  	_ =	shalt  }
0x4f: {  	_ =	shalt  }
0x50: {  	_ =	shalt  }
0x51: {  	_ =	shalt  }
0x52: {  	_ =	shalt  }
0x53: {  	_ =	shalt  }
0x54: {  	_ =	shalt  }
0x55: {  	_ =	shalt  }
0x56: {  	_ =	shalt  }
0x57: {  	_ =	shalt  }
0x58: {  	_ =	shalt  }
0x59: {  	_ =	shalt  }
0x5a: {  	_ =	shalt  }
0x5b: {  	_ =	shalt  }
0x5c: {  	_ =	shalt  }
0x5d: {  	_ =	shalt  }
0x5e: {  	_ =	shalt  }
0x5f: {  	_ =	shalt  }
0x60: {  	_ =	shalt  }
0x61: {  	_ =	shalt  }
0x62: {  	_ =	shalt  }
0x63: {  	_ =	shalt  }
0x64: {  	_ =	shalt  }
0x65: {  	_ =	shalt  }
0x66: {  	_ =	shalt  }
0x67: {  	_ =	shalt  }
0x68: {  	_ =	shalt  }
0x69: {  	_ =	shalt  }
0x6a: {  	_ =	shalt  }
0x6b: {  	_ =	shalt  }
0x6c: {  	_ =	shalt  }
0x6d: {  	_ =	shalt  }
0x6e: {  	_ =	shalt  }
0x6f: {  	_ =	shalt  }
0x70: {  	_ =	shalt  }
0x71: {  	_ =	shalt  }
0x72: {  	_ =	shalt  }
0x73: {  	_ =	shalt  }
0x74: {  	_ =	shalt  }
0x75: {  	_ =	shalt  }
0x76: {  	_ =	shalt  }
0x77: {  	_ =	shalt  }
0x78: {  	_ =	shalt  }
0x79: {  	_ =	shalt  }
0x7a: {  	_ =	shalt  }
0x7b: {  	_ =	shalt  }
0x7c: {  	_ =	shalt  }
0x7d: {  	_ =	shalt  }
0x7e: {  	_ =	shalt  }
0x7f: {  	_ =	shalt  }
0x80: {  	_ =	shalt  }
0x81: {  	_ =	shalt  }
0x82: {  	_ =	shalt  }
0x83: {  	_ =	shalt  }
0x84: {  	_ =	shalt  }
0x85: {  	_ =	shalt  }
0x86: {  	_ =	shalt  }
0x87: {  	_ =	shalt  }
.Lfunc_end0:
.L_simem_size_0:
called_computation_lowered:
.L_overlay_start_0:
0x88: {  	s2 =	sld [smem:$0x3FD9]  }
0x89: {  	s3 =	sld [smem:$0x3FFE];
	_ =	sdelay $0x1  }
0x8a: {  	s1 =	srdreg.scid  }
0x8b: {  	s0 =	sand.u32 $0x1, s1  }
0x8c: {  	s16 =	sshll.u32 s0, $0xA;
	s2 =	sadd.s32 s3, s2  }
0x8d: {  	s2 =	sadd.s32 s2, s16  }
0x8e: {  	[smem:$0x3FC0] =	sst s2  }
0x8f: {  	_ = 	snop  }
0x90: {  	(tm) =	ssettm $0x1  }
0x91: {  	s17 =	sld [smem:$0x3FFB];
	_ =	sdelay $0x3  }
0x92: {  	_ =	strace s17  }
0x93: {  	s2 =	sld [smem:$0x3FFC];
	_ =	sdelay $0x3  }
0x94: {  	_ =	strace s2  }
0x95: {  	s2 =	sld [smem:$0x3FFD];
	_ =	sdelay $0x3  }
0x96: {  	_ =	strace s2  }
0x97: {  	_ =	strace $0x8FFFFFFF  }
0x98: {  	s18 =	sld [smem:$0x3FDB];
	_ =	sdelay $0x1  }
0x99: {  	s19 =	simm.s32 $_scs_section_size  }
0x9a: {  	s4 =	simm.s32 $_size__tile_overlayer_lowered;
	s5 =	simm.s32 $_tile_overlayer_lowered  }
0x9b: {  	s22 =	simm.s32 $0x1BFF;
	s21 =	sshll.u32 s5, $0x1;
	s2 =	sadd.s32 s19, s18  }
0x9c: {  	s6 =	simm.s32 $0x0;
	s20 =	sshll.u32 s4, $0x1;
	s4 =	sadd.s32 s21, s2  }
0x9d: {  	[timem:s6], [sflag:s22] =	dma.local [hbm:s4], s20  }
0x9e: {  	_ =	swait.ge [sflag:s22], s20  }
0x9f: {  	s3 =	ssub.s32 $0x0, s20;
	[sflag:s22] =	ssyncset.done $0x0  }
0xa0: {  	[sflag:s22] =	ssyncadd.s32 s3;
	_ =	sdelay $0x1  }
0xa1: {  	s23 =	simm.s32 $0x1B8B  }
0xa2: {  	_ =	swait.ge [sflag:s23], $0x1  }
0xa3: {  	[sflag:s23] =	ssyncset.done $0x0  }
0xa4: {  	s25 =	simm.s32 $0x1B8E;
	s24 =	sld [smem:$0x3FFE];
	[sflag:s23] =	ssyncadd.s32 $0xFFFFFFFF  }
0xa5: {  	s26 =	simm.s32 $execute0_lowered;
	[smem:$0x3FD2] =	sst s25  }
0xa6: {  	s4 =	sshll.u32 s26, $0x1;
	_ =	strace $0x80000046;
	[dreg:$0x1] =	wrdreg $0xFFFFFFFF  }
0xa7: {  	s28 =	simm.s32 $_size_execute0_lowered;
	s2 =	sadd.s32 s2, s4;
	[dreg:$0x0] =	wrdreg $0x0  }
0xa8: {  	s4 =	sshll.u32 s28, $0x1;
	[dreg:$0x2] =	wrdreg s2  }
0xa9: {  	[dreg:$0x3] =	wrdreg s4  }
0xaa: {  	[dreg:$0x4] =	wrdreg $0xC0  }
0xab: {  	_ =	task [dreg:s6], $0x5FFFF  }
0xac: {  	[dreg:$0x1] =	wrdreg $0xFFFFFFFF  }
0xad: {  	[dreg:$0x0] =	wrdreg $0x60  }
0xae: {  	[dreg:$0x2] =	wrdreg s24  }
0xaf: {  	[dreg:$0x3] =	wrdreg $0x9  }
0xb0: {  	_ =	task.clear_ibuf [dreg:s6], $0x4FFFF;
	_ =	strace $0x90000046  }
0xb1: {  	s29 =	simm.s32 $0x9;
	_ =	strace $0x80000048  }
0xb2: {  	_ =	swait.ge [sflag:s29], $0x1  }
0xb3: {  	[sflag:s29] =	ssyncadd.s32 $0xFFFFFFFF  }
0xb4: {  	_ =	strace $0x90000048  }
0xb5: {  	_ =	sfence  }
0xb6: {  	s30 =	sld [smem:$0x0];
	_ =	sdelay $0x2  }
0xb7: {  	s31 =	sshll.u32 s1, $0xD;
	s1 =	sshrl.u32 s1, $0x2  }
0xb8: {  	s3 =	sand.u32 $0x4000, s31;
	s1 =	sadd.s32 s1, s30  }
0xb9: {  	s0 =	sor.u32 s3, s0;
	s1 =	sshll.u32 s1, $0x11  }
0xba: {  	s0 =	sor.u32 s1, s0  }
0xbb: {  	s0 =	sadd.s32 $0x8F2B, s0  }
0xbc: {  	[sflag:s0] =	ssyncadd.remote.s32 $0x1  }
0xbd: {  	_ =	sfence.sel $0xFFFF  }
0xbe: {  	[dreg:$0x0] =	wrdreg $0xFFFFFFFF;
	(pc) =	sbr.abs _section_cstart, $3  }
0xbf: {  	[dreg:$0x1] =	wrdreg $0xFFFFFFFF  }
0xc0: {  	_ =	task.clear_ibuf [dreg:s6], $0x2FFFF;
	_ =	strace $0x9FFFFFFF  }
0xc1: {  	(tm) =	ssettm $0x7FFFFFFF  }
tec
execute0_lowered:
.L_overlay_start_1:
0x0: {  	(tag) =	ssettag $0x1  }
0x1: {  	s0 =	srdreg.scid  }
0x2: {  	s4 =	rddreg [dreg:$0x0];
	s2 =	simm.s32 $0x0;
	s3 =	sand.u32 $0x1, s0  }
0x3: {  	s8 =	simm.s32 $0x1;
	s0 =	stileid.u32;
	s1 =	sshll.u32 s3, $0x4  }
0x4: {  	s9 =	simm.s32 $0x80;
	s10 =	simm.s32 $0x400;
	s5 =	sor.u32 s0, s1  }
0x5: {  	s11 =	simm.s32 $0x0;
	[smem:$0x7FF] =	sst s2;
	s6 =	sshrl.u32 s5, $0x3  }
0x6: {  	s7 =	sshll.u32 s0, $0x7;
	s30 =	ssub.s32 $0x2, s3;
	s6 =	smul.u32 $0x14000, s6  }
0x7: {  	s3 =	sadd.s32 $0xC400, s4;
	s7 =	sand.u32 $0x380, s7;
	s5 =	smul.u32 $0x500, s5  }
0x8: {  	s1 =	rddreg [dreg:$0x1];
	_ =	strace $0x80000047;
	s6 =	sor.u32 s7, s6  }
0x9: {  	s31 =	sshrl.u32 s30, $0x1;
	s5 =	sadd.s32 s5, s4;
	s6 =	sshrl.u32 s6, $0x3  }
0xa: {  	s7 =	ssub.s32 s30, s31;
	s6 =	sadd.s32 s6, s4;
	s4 =	sadd.s32 $0x2400, s5  }
0xb: {  	v0 =	vimm.f32 $1.000000000e+00;
	s5 =	sadd.s32 $0xCA00, s6;
	s6 =	smax.u32 s7, $0x1;
	s7 =	simm.s32 $0x2800  }
.LBB2_1:
0xc: {  	[tilespmem:s7], [sflag:$0x1] =	stream.linear.gather [hbm4b:s3+s2], $0x2800, $0x38;
	[tilespmem:$0x5000] =	vst v63  }
0xd: {  	_ =	swait.ge [sflag:s8], $0x2800  }
0xe: {  	[sflag:s8] =	ssyncset.done $0x0  }
0xf: {  	[sflag:s8] =	ssyncadd.s32 $0xFFFFD800  }
0x10: {  	[tilespmem:s2], [sflag:$0x1] =	stream.linear.gather [hbm4b:s4+s2], $0x2800, $0x38;
	[tilespmem:$0x5000] =	vst v63  }
0x11: {  	_ =	swait.ge [sflag:s8], $0x2800  }
0x12: {  	[sflag:s8] =	ssyncset.done $0x0  }
0x13: {  	s12 =	simm.s32 $0x0;
	[sflag:s8] =	ssyncadd.s32 $0xFFFFD800  }
.LBB2_2:
0x14: {  	s13 =	sshra.s32 s12, $0x2  }
0x15: {  	v1 =	vld [tilespmem:s13+$0x0];
	_ =	sdelay $0x7  }
0x16: {  	[tilespmem:v1+s7+$0x0] =	vst.idx.add.f32.msk $0xffff, v0  }
0x17: {  	v1 =	vld [tilespmem:s13+$0x10];
	_ =	sdelay $0x7  }
0x18: {  	[tilespmem:v1+s7+$0x0] =	vst.idx.add.f32.msk $0xffff, v0  }
0x19: {  	v1 =	vld [tilespmem:s13+$0x20];
	_ =	sdelay $0x7  }
0x1a: {  	[tilespmem:v1+s7+$0x0] =	vst.idx.add.f32.msk $0xffff, v0  }
0x1b: {  	v1 =	vld [tilespmem:s13+$0x30];
	_ =	sdelay $0x7  }
0x1c: {  	[tilespmem:v1+s7+$0x0] =	vst.idx.add.f32.msk $0xffff, v0  }
0x1d: {  	v1 =	vld [tilespmem:s13+$0x40];
	_ =	sdelay $0x7  }
0x1e: {  	[tilespmem:v1+s7+$0x0] =	vst.idx.add.f32.msk $0xffff, v0  }
0x1f: {  	v1 =	vld [tilespmem:s13+$0x50];
	_ =	sdelay $0x7  }
0x20: {  	[tilespmem:v1+s7+$0x0] =	vst.idx.add.f32.msk $0xffff, v0  }
0x21: {  	v1 =	vld [tilespmem:s13+$0x60];
	_ =	sdelay $0x7  }
0x22: {  	[tilespmem:v1+s7+$0x0] =	vst.idx.add.f32.msk $0xffff, v0  }
0x23: {  	v1 =	vld [tilespmem:s13+$0x70];
	_ =	sdelay $0x2  }
0x24: {  	p0 =	sne.s32 s12, $0x9E00  }
.Ltmp0:
0x25: {  	_ = 	snop;
	(pc) =	sbr.rel @p0 .LBB2_2-.Ltmp0, $2  }
0x26: {  	_ =	sdelay $0x2  }
0x27: {  	s12 =	sadd.s32 $0x200, s12;
	[tilespmem:v1+s7+$0x0] =	vst.idx.add.f32.msk $0xffff, v0  }
0x28: {  	s11 =	sadd.s32 $0x1, s11  }
0x29: {  	p0 =	sne.s32 s11, s6  }
.Ltmp1:
0x2a: {  	_ = 	snop;
	(pc) =	sbr.rel @p0 .LBB2_1-.Ltmp1, $4  }
0x2b: {  	[hbm4b:s5+s9] =	stream.strided.scatter [tilespmem:s7], [sflag:$0x1], $0x2800, s10, s9, $0x38;
	[tilespmem:$0x5000] =	vst v63  }
0x2c: {  	_ =	swait.ge [sflag:s8], $0x2800  }
0x2d: {  	[sflag:s8] =	ssyncset.done $0x0  }
0x2e: {  	[sflag:s8] =	ssyncadd.s32 $0xFFFFD800  }
0x2f: {  	_ =	sfence.sel $0x180000  }
0x30: {  	[bflag:$0x0] =	sbarrier.arrive $0xFFFF  }
0x31: {  	p0 =	sne.s32 s0, $0x0;
	_ =	strace $0x90000047  }
0x32: {  	s0 =	sadd.s32 @!p0 $0x100000, s1;
	[bflag:$0x2] =	sbarrier.arrive $0xFFFF  }
0x33: {  	[sflag:s0] =	ssyncadd.tile.s32 @!p0 $0x1;
	_ =	shalt  }
.Lfunc_end2:
_tile_overlayer_lowered:
.L_overlay_start_2:
0x34: {  	(tag) =	ssettag $0x2  }
0x35: {  	s0 =	rddreg [dreg:$0x0];
	s2 =	stileid.u32  }
0x36: {  	s1 =	rddreg [dreg:$0x1];
	p0 =	sne.s32 s2, $0x0  }
0x37: {  	s3 =	rddreg [dreg:$0x2];
	[bflag:$0x3] =	sbarrier.arrive $0xFFFF;
	s2 =	simm.s32 @!p0 $0x1C01  }
0x38: {  	[timem:s3], [sflag:s2] =	dma.local @!p0 [hbm:s0], s1  }
0x39: {  	s0 =	simm.s32 @!p0 $0x1  }
0x3a: {  	_ =	swait.ge @!p0 [sflag:s0], s1  }
0x3b: {  	s1 =	ssub.s32 @!p0 $0x0, s1;
	[sflag:s0] =	ssyncset.done @!p0 $0x0  }
0x3c: {  	[sflag:s0] =	ssyncadd.s32 @!p0 s1  }
0x3d: {  	[bflag:$0x3] =	sbarrier.arrive $0xFFFF  }
0x3e: {  	_ =	shalt  }

</sc_bundles>
